<compile_context>
chip_gen: v7x
topology: tpu7x:2x2x1
jax: 0.10.2.dev20260603
libtpu: 0.0.44.dev20260713+nightly
codegen_flags: <defaults>
</compile_context>

<pallas_src>
import functools

import jax
import jax.numpy as jnp
from jax import lax
from jax.experimental import pallas as pl
from jax.experimental.pallas import tpu as pltpu
from jax.experimental.pallas import tpu_sc as plsc

NPAD = 10240
BLK = 1024
CH = 128
NC = 2
NS = 16
NW = NC * NS


def _lower_body(x_ref, w_ref, b_ref, o_ref):
    o_ref[...] = jnp.maximum(
        jnp.dot(x_ref[...], w_ref[...], preferred_element_type=jnp.float32)
        + b_ref[...], 0.0)


def _lower(x, W, b):
    n, h = x.shape
    d = W.shape[1]
    return pl.pallas_call(
        _lower_body,
        grid=(n // BLK,),
        in_specs=[
            pl.BlockSpec((BLK, h), lambda i: (i, 0)),
            pl.BlockSpec((h, d), lambda i: (0, 0)),
            pl.BlockSpec((1, d), lambda i: (0, 0)),
        ],
        out_specs=pl.BlockSpec((BLK, d), lambda i: (i, 0)),
        out_shape=jax.ShapeDtypeStruct((n, d), jnp.float32),
    )(x, W, b.reshape(1, -1))


def _table_body(h_ref, w_ref, o_ref):
    o_ref[...] = jnp.dot(h_ref[...], w_ref[0],
                         preferred_element_type=jnp.float32)[None]


def _table(h, W):
    n, d = h.shape
    r = W.shape[0]
    return pl.pallas_call(
        _table_body,
        grid=(n // BLK, r),
        in_specs=[
            pl.BlockSpec((BLK, d), lambda i, j: (i, 0)),
            pl.BlockSpec((1, d, d), lambda i, j: (j, 0, 0)),
        ],
        out_specs=pl.BlockSpec((1, BLK, d), lambda i, j: (j, i, 0)),
        out_shape=jax.ShapeDtypeStruct((r, n, d), jnp.float32),
    )(h, W)


def _combine_body(a_ref, b_ref, o_ref):
    o_ref[...] = jnp.maximum(a_ref[0] + a_ref[1] + b_ref[...], 0.0)


def _combine(agg, b):
    n, d = agg.shape[1], agg.shape[2]
    return pl.pallas_call(
        _combine_body,
        grid=(n // BLK,),
        in_specs=[
            pl.BlockSpec((2, BLK, d), lambda i: (0, i, 0)),
            pl.BlockSpec((1, d), lambda i: (0, 0)),
        ],
        out_specs=pl.BlockSpec((BLK, d), lambda i: (i, 0)),
        out_shape=jax.ShapeDtypeStruct((n, d), jnp.float32),
    )(agg, b.reshape(1, -1))


def _final_body(h_ref, wu_ref, bu_ref, x_ref, ws_ref, bs_ref, o_ref):
    up = jnp.maximum(
        jnp.dot(h_ref[...], wu_ref[...], preferred_element_type=jnp.float32)
        + bu_ref[...], 0.0)
    sk = jnp.maximum(
        jnp.dot(x_ref[...], ws_ref[...], preferred_element_type=jnp.float32)
        + bs_ref[...], 0.0)
    o_ref[...] = up + sk


def _final(h, Wu, bu, x, Ws, bs):
    n, d = h.shape
    hd = x.shape[1]
    return pl.pallas_call(
        _final_body,
        grid=(n // BLK,),
        in_specs=[
            pl.BlockSpec((BLK, d), lambda i: (i, 0)),
            pl.BlockSpec((d, hd), lambda i: (0, 0)),
            pl.BlockSpec((1, hd), lambda i: (0, 0)),
            pl.BlockSpec((BLK, hd), lambda i: (i, 0)),
            pl.BlockSpec((hd, hd), lambda i: (0, 0)),
            pl.BlockSpec((1, hd), lambda i: (0, 0)),
        ],
        out_specs=pl.BlockSpec((BLK, hd), lambda i: (i, 0)),
        out_shape=jax.ShapeDtypeStruct((n, hd), jnp.float32),
    )(h, Wu, bu.reshape(1, -1), x, Ws, bs.reshape(1, -1))


def _edge_pass(table, gidx, dst, zeros):
    e = gidx.shape[0]
    d = table.shape[1]
    nchunks = e // CH
    base_ch, extra = nchunks // NW, nchunks % NW
    rps = NPAD // NS
    mesh = plsc.VectorSubcoreMesh(core_axis_name="c", subcore_axis_name="s")

    @functools.partial(
        pl.kernel,
        out_type=jax.ShapeDtypeStruct((NC, NPAD, d), jnp.float32),
        mesh=mesh,
        scratch_types=[
            pltpu.VMEM((CH,), jnp.int32),
            pltpu.VMEM((CH,), jnp.int32),
            pltpu.VMEM((CH, d), jnp.float32),
            pltpu.VMEM_SHARED((NPAD, d), jnp.float32),
            pltpu.SemaphoreType.DMA,
        ],
    )
    def body(table_hbm, gidx_hbm, dst_hbm, zeros_hbm, out_hbm,
             gidx_v, dst_v, rows_v, acc, sem):
        c = lax.axis_index("c")
        s = lax.axis_index("s")
        w = s * NC + c
        r0 = s * rps
        pltpu.sync_copy(zeros_hbm.at[pl.ds(r0, rps)], acc.at[pl.ds(r0, rps)])
        plsc.subcore_barrier()
        nch = base_ch + jnp.where(w < extra, 1, 0)

        def chunk(i, carry):
            start = (i * NW + w) * CH
            pltpu.sync_copy(gidx_hbm.at[pl.ds(start, CH)], gidx_v)
            pltpu.sync_copy(dst_hbm.at[pl.ds(start, CH)], dst_v)
            pltpu.async_copy(table_hbm.at[gidx_v], rows_v, sem).wait()
            pltpu.sync_copy(rows_v, acc.at[dst_v], add=True)
            return carry

        lax.fori_loop(0, nch, chunk, 0)
        plsc.subcore_barrier()
        pltpu.sync_copy(acc.at[pl.ds(r0, rps)],
                        out_hbm.at[c, pl.ds(r0, rps)])

    return body(table, gidx, dst, zeros)


def kernel(x, edge_index, edge_type, Wl, bl, W1, b1, W2, b2, W3, b3,
           Wu, bu, Ws, bs):
    n = x.shape[0]
    d = Wl.shape[1]
    src = edge_index[0]
    dst = edge_index[1]
    gidx = edge_type * NPAD + src
    zeros = jnp.zeros((NPAD, d), jnp.float32)
    xp = jnp.pad(x, ((0, NPAD - n), (0, 0)))

    h = _lower(xp, Wl, bl)
    for W, b in ((W1, b1), (W2, b2), (W3, b3)):
        t = _table(h, W).reshape(-1, d)
        agg = _edge_pass(t, gidx, dst, zeros)
        h = _combine(agg, b)
    out = _final(h, Wu, bu, xp, Ws, bs)
    return out[:n]

# --- scband reference (transcript-rebuilt; emitter-appended) ---
"""Pipeline reference for scband-schema-encoder-32641751450078 (READ-ONLY COPY).

The authoritative reference and input builder live on the scoring server;
editing this copy changes nothing except your own understanding.
"""

import jax, jax.numpy as jnp
import numpy as np

N = 10000
E = 320000
H = 256
D = 128
R = 6


def setup_inputs(seed: int = 0) -> dict:
    key = jax.random.key(seed)
    ks = jax.random.split(key, 16)
    x = jax.random.normal(ks[0], (N, H), dtype=jnp.float32)
    edge_index = jax.random.randint(ks[1], (2, E), 0, N, dtype=jnp.int32)
    edge_type = jax.random.randint(ks[2], (E,), 0, R, dtype=jnp.int32)
    # learned parameters
    Wl = jax.random.normal(ks[3], (H, D), dtype=jnp.float32) * (1.0 / np.sqrt(H))
    bl = jnp.zeros((D,), dtype=jnp.float32)
    W1 = jax.random.normal(ks[4], (R, D, D), dtype=jnp.float32) * (np.sqrt(2.0) / np.sqrt(D))
    b1 = jnp.zeros((D,), dtype=jnp.float32)
    W2 = jax.random.normal(ks[5], (R, D, D), dtype=jnp.float32) * (np.sqrt(2.0) / np.sqrt(D))
    b2 = jnp.zeros((D,), dtype=jnp.float32)
    W3 = jax.random.normal(ks[6], (R, D, D), dtype=jnp.float32) * (np.sqrt(2.0) / np.sqrt(D))
    b3 = jnp.zeros((D,), dtype=jnp.float32)
    Wu = jax.random.normal(ks[7], (D, H), dtype=jnp.float32) * (1.0 / np.sqrt(D))
    bu = jnp.zeros((H,), dtype=jnp.float32)
    Ws = jax.random.normal(ks[8], (H, H), dtype=jnp.float32) * (1.0 / np.sqrt(H))
    bs = jnp.zeros((H,), dtype=jnp.float32)
    return {"x": x, "edge_index": edge_index, "edge_type": edge_type,
            "Wl": Wl, "bl": bl, "W1": W1, "b1": b1, "W2": W2, "b2": b2,
            "W3": W3, "b3": b3, "Wu": Wu, "bu": bu, "Ws": Ws, "bs": bs}


def _ngcn_layer(h, W, b, src, dst, edge_type, n_nodes):
    # per-relation transform of all node features: [R, N, D]
    # mathematically identical to per-edge bmm with W[rel_type] in the torch code
    xw = jnp.einsum('nd,rdf->rnf', h, W)
    # gather per-edge message: msg_e = h[src_e] @ W[rel_type_e]
    msg = xw[edge_type, src]  # [E, D]
    # fn.sum(msg='msg', out='h'): scatter-add into destination nodes
    agg = jnp.zeros((n_nodes, h.shape[1]), dtype=h.dtype).at[dst].add(msg)
    # apply_func: bias + relu
    return jax.nn.relu(agg + b)


def reference(x, edge_index, edge_type, Wl, bl, W1, b1, W2, b2, W3, b3, Wu, bu, Ws, bs):
    src = edge_index[0]
    dst = edge_index[1]
    n_nodes = x.shape[0]
    # self.lower: Linear + ReLU  (hidden_dim -> lower_dim)
    h = jax.nn.relu(x @ Wl + bl)
    # three NGCNLayer relational message-passing layers
    h = _ngcn_layer(h, W1, b1, src, dst, edge_type, n_nodes)
    h = _ngcn_layer(h, W2, b2, src, dst, edge_type, n_nodes)
    h = _ngcn_layer(h, W3, b3, src, dst, edge_type, n_nodes)
    # self.upper(h) + self.skipper(origin node features)
    out = jax.nn.relu(h @ Wu + bu) + jax.nn.relu(x @ Ws + bs)
    return out

if __name__ == "__main__":
    import jax
    _d = setup_inputs()
    print(jax.jit(kernel)(*tuple(_d.values())))

</pallas_src>

<mosaic_0001>
#map = affine_map<(d0, d1) -> (0, 0)>
#map1 = affine_map<(d0, d1) -> (0)>
#map2 = affine_map<(d0, d1) -> (0, 0, 0)>
module attributes {stable_mosaic.version = 14 : i64} {
  func.func @body(%arg0: i32, %arg1: i32, %arg2: memref<61440x128xf32, #tpu.memory_space<hbm>>, %arg3: memref<320000xi32, #tpu.memory_space<hbm>>, %arg4: memref<320000xi32, #tpu.memory_space<hbm>>, %arg5: memref<10240x128xf32, #tpu.memory_space<hbm>>, %arg6: memref<2x10240x128xf32, #tpu.memory_space<hbm>>, %arg7: memref<128xi32, #tpu.memory_space<vmem>>, %arg8: memref<128xi32, #tpu.memory_space<vmem>>, %arg9: memref<128x128xf32, #tpu.memory_space<vmem>>, %arg10: memref<10240x128xf32, #tpu.memory_space<vmem_shared>>, %arg11: memref<!tpu.dma_semaphore, #tpu.memory_space<semaphore_mem>>) attributes {dimension_semantics = [#tpu.dimension_semantics<core_parallel>, #tpu.dimension_semantics<subcore_parallel>], iteration_bounds = array<i64: 2, 16>, scalar_prefetch = 0 : i64, scratch_operands = 5 : i64, tpu.core_type = #tpu.core_type<sc_vector_subcore>, window_params = [{transform_indices = #map}, {transform_indices = #map1}, {transform_indices = #map1}, {transform_indices = #map}, {transform_indices = #map2}]} {
    %mul3A = arith.constant 2 : i32
    %mul3A_0 = arith.muli %arg1, %mul3A : i32
    %add3A = arith.addi %mul3A_0, %arg0 : i32
    %mul3A_1 = arith.constant 640 : i32
    %mul3A_2 = arith.muli %arg1, %mul3A_1 : i32
    "tpu.region"() ({
      %run_scoped3A = tpu.sem_alloc : memref<!tpu.dma_semaphore, #tpu.memory_space<semaphore_mem>>
      %dma_start3A = arith.constant 0 : i32
      %dma_start3A_17 = tpu.memref_slice %arg10[%mul3A_2, %dma_start3A] : memref<10240x128xf32, #tpu.memory_space<vmem_shared>> -> memref<640x128xf32, #tpu.memory_space<vmem_shared>>
      %dma_start3A_18 = arith.constant 0 : i32
      %dma_start3A_19 = tpu.memref_slice %arg5[%mul3A_2, %dma_start3A_18] : memref<10240x128xf32, #tpu.memory_space<hbm>> -> memref<640x128xf32, #tpu.memory_space<hbm>>
      tpu.enqueue_dma source(%dma_start3A_19 : memref<640x128xf32, #tpu.memory_space<hbm>>) target(%dma_start3A_17 : memref<640x128xf32, #tpu.memory_space<vmem_shared>>) target_semaphore(%run_scoped3A : memref<!tpu.dma_semaphore, #tpu.memory_space<semaphore_mem>>)
      %dma_wait3A = arith.constant 0 : i32
      %dma_wait3A_20 = tpu.memref_slice %arg10[%mul3A_2, %dma_wait3A] : memref<10240x128xf32, #tpu.memory_space<vmem_shared>> -> memref<640x128xf32, #tpu.memory_space<vmem_shared>>
      %dma_wait3A_21 = arith.constant 0 : i32
      %dma_wait3A_22 = tpu.memref_slice %arg5[%mul3A_2, %dma_wait3A_21] : memref<10240x128xf32, #tpu.memory_space<hbm>> -> memref<640x128xf32, #tpu.memory_space<hbm>>
      tpu.wait_dma2 semaphore(%run_scoped3A : memref<!tpu.dma_semaphore, #tpu.memory_space<semaphore_mem>>) src(%dma_wait3A_22 : memref<640x128xf32, #tpu.memory_space<hbm>>) dst(%dma_wait3A_20 : memref<640x128xf32, #tpu.memory_space<vmem_shared>>)
      tpu.yield
    }) : () -> ()
    %barrier3A = arith.constant 0 : index
    tpu.barrier barrier_id(%barrier3A)
    %lt3A = arith.constant 4 : i32
    %lt3A_3 = arith.cmpi slt, %add3A, %lt3A : i32
    %jit3A = arith.constant 1 : i32
    %jit3A_4 = arith.constant 0 : i32
    %select_n3A = arith.select %lt3A_3, %jit3A, %jit3A_4 : i32
    %add3A_5 = arith.constant 78 : i32
    %add3A_6 = arith.addi %add3A_5, %select_n3A : i32
    %while3A = arith.constant 0 : i32
    %while3A_7 = arith.constant 0 : i32
    %while3A_8 = arith.subi %add3A_6, %while3A_7 : i32
    %while3A_9 = arith.addi %while3A_7, %while3A_8 : i32
    %while3A_10 = arith.constant 1 : i32
    %while3A_11 = arith.divsi %while3A_8, %while3A_10 : i32
    %while3A_12 = arith.muli %while3A_11, %while3A_10 : i32
    %while3A_13 = arith.addi %while3A_7, %while3A_12 : i32
    %while3A_14 = arith.constant 1 : i32
    scf.for %while3A_17 = %while3A_7 to %while3A_13 step %while3A_14  : i32 {
      %mul3A_18 = arith.constant 32 : i32
      %mul3A_19 = arith.muli %while3A_17, %mul3A_18 : i32
      %add3A_20 = arith.addi %mul3A_19, %add3A : i32
      %mul3A_21 = arith.constant 128 : i32
      %mul3A_22 = arith.muli %add3A_20, %mul3A_21 : i32
      "tpu.region"() ({
        %run_scoped3A = tpu.sem_alloc : memref<!tpu.dma_semaphore, #tpu.memory_space<semaphore_mem>>
        %dma_start3A_27 = tpu.memref_slice %arg3[%mul3A_22] : memref<320000xi32, #tpu.memory_space<hbm>> -> memref<128xi32, #tpu.memory_space<hbm>>
        %dma_start3A_28 = tpu.memref_slice %arg3[%mul3A_22] : memref<320000xi32, #tpu.memory_space<hbm>> -> memref<128xi32, #tpu.memory_space<hbm>>
        tpu.enqueue_dma source(%dma_start3A_28 : memref<128xi32, #tpu.memory_space<hbm>>) target(%arg7 : memref<128xi32, #tpu.memory_space<vmem>>) target_semaphore(%run_scoped3A : memref<!tpu.dma_semaphore, #tpu.memory_space<semaphore_mem>>)
        %dma_wait3A_29 = tpu.memref_slice %arg3[%mul3A_22] : memref<320000xi32, #tpu.memory_space<hbm>> -> memref<128xi32, #tpu.memory_space<hbm>>
        %dma_wait3A_30 = tpu.memref_slice %arg3[%mul3A_22] : memref<320000xi32, #tpu.memory_space<hbm>> -> memref<128xi32, #tpu.memory_space<hbm>>
        tpu.wait_dma2 semaphore(%run_scoped3A : memref<!tpu.dma_semaphore, #tpu.memory_space<semaphore_mem>>) src(%dma_wait3A_30 : memref<128xi32, #tpu.memory_space<hbm>>) dst(%arg7 : memref<128xi32, #tpu.memory_space<vmem>>)
        tpu.yield
      }) : () -> ()
      "tpu.region"() ({
        %run_scoped3A = tpu.sem_alloc : memref<!tpu.dma_semaphore, #tpu.memory_space<semaphore_mem>>
        %dma_start3A_27 = tpu.memref_slice %arg4[%mul3A_22] : memref<320000xi32, #tpu.memory_space<hbm>> -> memref<128xi32, #tpu.memory_space<hbm>>
        %dma_start3A_28 = tpu.memref_slice %arg4[%mul3A_22] : memref<320000xi32, #tpu.memory_space<hbm>> -> memref<128xi32, #tpu.memory_space<hbm>>
        tpu.enqueue_dma source(%dma_start3A_28 : memref<128xi32, #tpu.memory_space<hbm>>) target(%arg8 : memref<128xi32, #tpu.memory_space<vmem>>) target_semaphore(%run_scoped3A : memref<!tpu.dma_semaphore, #tpu.memory_space<semaphore_mem>>)
        %dma_wait3A_29 = tpu.memref_slice %arg4[%mul3A_22] : memref<320000xi32, #tpu.memory_space<hbm>> -> memref<128xi32, #tpu.memory_space<hbm>>
        %dma_wait3A_30 = tpu.memref_slice %arg4[%mul3A_22] : memref<320000xi32, #tpu.memory_space<hbm>> -> memref<128xi32, #tpu.memory_space<hbm>>
        tpu.wait_dma2 semaphore(%run_scoped3A : memref<!tpu.dma_semaphore, #tpu.memory_space<semaphore_mem>>) src(%dma_wait3A_30 : memref<128xi32, #tpu.memory_space<hbm>>) dst(%arg8 : memref<128xi32, #tpu.memory_space<vmem>>)
        tpu.yield
      }) : () -> ()
      %dma_start3A = arith.constant 0 : i32
      %dma_start3A_23 = arith.constant 0 : i32
      %dma_start3A_24 = tpu.memref_slice %arg2[%dma_start3A, %dma_start3A_23] : memref<61440x128xf32, #tpu.memory_space<hbm>> -> memref<61440x128xf32, #tpu.memory_space<hbm>>
      tpu.enqueue_indirect_dma source(%dma_start3A_24 : memref<61440x128xf32, #tpu.memory_space<hbm>>) target(%arg9 : memref<128x128xf32, #tpu.memory_space<vmem>>) offsets(%arg7 : memref<128xi32, #tpu.memory_space<vmem>>) semaphore(%arg11 : memref<!tpu.dma_semaphore, #tpu.memory_space<semaphore_mem>>)
      %dma_wait3A = arith.constant 0 : i32
      %dma_wait3A_25 = arith.constant 0 : i32
      %dma_wait3A_26 = tpu.memref_slice %arg2[%dma_wait3A, %dma_wait3A_25] : memref<61440x128xf32, #tpu.memory_space<hbm>> -> memref<61440x128xf32, #tpu.memory_space<hbm>>
      tpu.wait_indirect_dma semaphore(%arg11 : memref<!tpu.dma_semaphore, #tpu.memory_space<semaphore_mem>>) src(%dma_wait3A_26 : memref<61440x128xf32, #tpu.memory_space<hbm>>) dst(%arg9 : memref<128x128xf32, #tpu.memory_space<vmem>>)
      "tpu.region"() ({
        %run_scoped3A = tpu.sem_alloc : memref<!tpu.dma_semaphore, #tpu.memory_space<semaphore_mem>>
        %dma_start3A_27 = arith.constant 0 : i32
        %dma_start3A_28 = arith.constant 0 : i32
        %dma_start3A_29 = tpu.memref_slice %arg10[%dma_start3A_27, %dma_start3A_28] : memref<10240x128xf32, #tpu.memory_space<vmem_shared>> -> memref<10240x128xf32, #tpu.memory_space<vmem_shared>>
        tpu.enqueue_indirect_dma source(%arg9 : memref<128x128xf32, #tpu.memory_space<vmem>>) target(%dma_start3A_29 : memref<10240x128xf32, #tpu.memory_space<vmem_shared>>) offsets(%arg8 : memref<128xi32, #tpu.memory_space<vmem>>) semaphore(%run_scoped3A : memref<!tpu.dma_semaphore, #tpu.memory_space<semaphore_mem>>) {add = true}
        %dma_wait3A_30 = arith.constant 0 : i32
        %dma_wait3A_31 = arith.constant 0 : i32
        %dma_wait3A_32 = tpu.memref_slice %arg10[%dma_wait3A_30, %dma_wait3A_31] : memref<10240x128xf32, #tpu.memory_space<vmem_shared>> -> memref<10240x128xf32, #tpu.memory_space<vmem_shared>>
        tpu.wait_indirect_dma semaphore(%run_scoped3A : memref<!tpu.dma_semaphore, #tpu.memory_space<semaphore_mem>>) src(%arg9 : memref<128x128xf32, #tpu.memory_space<vmem>>) dst(%dma_wait3A_32 : memref<10240x128xf32, #tpu.memory_space<vmem_shared>>)
        tpu.yield
      }) : () -> ()
    }
    %while3A_15 = arith.constant 1 : i32
    scf.for %while3A_17 = %while3A_13 to %while3A_9 step %while3A_15  : i32 {
      %mul3A_18 = arith.constant 32 : i32
      %mul3A_19 = arith.muli %while3A_17, %mul3A_18 : i32
      %add3A_20 = arith.addi %mul3A_19, %add3A : i32
      %mul3A_21 = arith.constant 128 : i32
      %mul3A_22 = arith.muli %add3A_20, %mul3A_21 : i32
      "tpu.region"() ({
        %run_scoped3A = tpu.sem_alloc : memref<!tpu.dma_semaphore, #tpu.memory_space<semaphore_mem>>
        %dma_start3A_27 = tpu.memref_slice %arg3[%mul3A_22] : memref<320000xi32, #tpu.memory_space<hbm>> -> memref<128xi32, #tpu.memory_space<hbm>>
        %dma_start3A_28 = tpu.memref_slice %arg3[%mul3A_22] : memref<320000xi32, #tpu.memory_space<hbm>> -> memref<128xi32, #tpu.memory_space<hbm>>
        tpu.enqueue_dma source(%dma_start3A_28 : memref<128xi32, #tpu.memory_space<hbm>>) target(%arg7 : memref<128xi32, #tpu.memory_space<vmem>>) target_semaphore(%run_scoped3A : memref<!tpu.dma_semaphore, #tpu.memory_space<semaphore_mem>>)
        %dma_wait3A_29 = tpu.memref_slice %arg3[%mul3A_22] : memref<320000xi32, #tpu.memory_space<hbm>> -> memref<128xi32, #tpu.memory_space<hbm>>
        %dma_wait3A_30 = tpu.memref_slice %arg3[%mul3A_22] : memref<320000xi32, #tpu.memory_space<hbm>> -> memref<128xi32, #tpu.memory_space<hbm>>
        tpu.wait_dma2 semaphore(%run_scoped3A : memref<!tpu.dma_semaphore, #tpu.memory_space<semaphore_mem>>) src(%dma_wait3A_30 : memref<128xi32, #tpu.memory_space<hbm>>) dst(%arg7 : memref<128xi32, #tpu.memory_space<vmem>>)
        tpu.yield
      }) : () -> ()
      "tpu.region"() ({
        %run_scoped3A = tpu.sem_alloc : memref<!tpu.dma_semaphore, #tpu.memory_space<semaphore_mem>>
        %dma_start3A_27 = tpu.memref_slice %arg4[%mul3A_22] : memref<320000xi32, #tpu.memory_space<hbm>> -> memref<128xi32, #tpu.memory_space<hbm>>
        %dma_start3A_28 = tpu.memref_slice %arg4[%mul3A_22] : memref<320000xi32, #tpu.memory_space<hbm>> -> memref<128xi32, #tpu.memory_space<hbm>>
        tpu.enqueue_dma source(%dma_start3A_28 : memref<128xi32, #tpu.memory_space<hbm>>) target(%arg8 : memref<128xi32, #tpu.memory_space<vmem>>) target_semaphore(%run_scoped3A : memref<!tpu.dma_semaphore, #tpu.memory_space<semaphore_mem>>)
        %dma_wait3A_29 = tpu.memref_slice %arg4[%mul3A_22] : memref<320000xi32, #tpu.memory_space<hbm>> -> memref<128xi32, #tpu.memory_space<hbm>>
        %dma_wait3A_30 = tpu.memref_slice %arg4[%mul3A_22] : memref<320000xi32, #tpu.memory_space<hbm>> -> memref<128xi32, #tpu.memory_space<hbm>>
        tpu.wait_dma2 semaphore(%run_scoped3A : memref<!tpu.dma_semaphore, #tpu.memory_space<semaphore_mem>>) src(%dma_wait3A_30 : memref<128xi32, #tpu.memory_space<hbm>>) dst(%arg8 : memref<128xi32, #tpu.memory_space<vmem>>)
        tpu.yield
      }) : () -> ()
      %dma_start3A = arith.constant 0 : i32
      %dma_start3A_23 = arith.constant 0 : i32
      %dma_start3A_24 = tpu.memref_slice %arg2[%dma_start3A, %dma_start3A_23] : memref<61440x128xf32, #tpu.memory_space<hbm>> -> memref<61440x128xf32, #tpu.memory_space<hbm>>
      tpu.enqueue_indirect_dma source(%dma_start3A_24 : memref<61440x128xf32, #tpu.memory_space<hbm>>) target(%arg9 : memref<128x128xf32, #tpu.memory_space<vmem>>) offsets(%arg7 : memref<128xi32, #tpu.memory_space<vmem>>) semaphore(%arg11 : memref<!tpu.dma_semaphore, #tpu.memory_space<semaphore_mem>>)
      %dma_wait3A = arith.constant 0 : i32
      %dma_wait3A_25 = arith.constant 0 : i32
      %dma_wait3A_26 = tpu.memref_slice %arg2[%dma_wait3A, %dma_wait3A_25] : memref<61440x128xf32, #tpu.memory_space<hbm>> -> memref<61440x128xf32, #tpu.memory_space<hbm>>
      tpu.wait_indirect_dma semaphore(%arg11 : memref<!tpu.dma_semaphore, #tpu.memory_space<semaphore_mem>>) src(%dma_wait3A_26 : memref<61440x128xf32, #tpu.memory_space<hbm>>) dst(%arg9 : memref<128x128xf32, #tpu.memory_space<vmem>>)
      "tpu.region"() ({
        %run_scoped3A = tpu.sem_alloc : memref<!tpu.dma_semaphore, #tpu.memory_space<semaphore_mem>>
        %dma_start3A_27 = arith.constant 0 : i32
        %dma_start3A_28 = arith.constant 0 : i32
        %dma_start3A_29 = tpu.memref_slice %arg10[%dma_start3A_27, %dma_start3A_28] : memref<10240x128xf32, #tpu.memory_space<vmem_shared>> -> memref<10240x128xf32, #tpu.memory_space<vmem_shared>>
        tpu.enqueue_indirect_dma source(%arg9 : memref<128x128xf32, #tpu.memory_space<vmem>>) target(%dma_start3A_29 : memref<10240x128xf32, #tpu.memory_space<vmem_shared>>) offsets(%arg8 : memref<128xi32, #tpu.memory_space<vmem>>) semaphore(%run_scoped3A : memref<!tpu.dma_semaphore, #tpu.memory_space<semaphore_mem>>) {add = true}
        %dma_wait3A_30 = arith.constant 0 : i32
        %dma_wait3A_31 = arith.constant 0 : i32
        %dma_wait3A_32 = tpu.memref_slice %arg10[%dma_wait3A_30, %dma_wait3A_31] : memref<10240x128xf32, #tpu.memory_space<vmem_shared>> -> memref<10240x128xf32, #tpu.memory_space<vmem_shared>>
        tpu.wait_indirect_dma semaphore(%run_scoped3A : memref<!tpu.dma_semaphore, #tpu.memory_space<semaphore_mem>>) src(%arg9 : memref<128x128xf32, #tpu.memory_space<vmem>>) dst(%dma_wait3A_32 : memref<10240x128xf32, #tpu.memory_space<vmem_shared>>)
        tpu.yield
      }) : () -> ()
    }
    %barrier3A_16 = arith.constant 0 : index
    tpu.barrier barrier_id(%barrier3A_16)
    "tpu.region"() ({
      %run_scoped3A = tpu.sem_alloc : memref<!tpu.dma_semaphore, #tpu.memory_space<semaphore_mem>>
      %dma_start3A = arith.constant 0 : i32
      %dma_start3A_17 = tpu.memref_slice %arg6[%arg0, %mul3A_2, %dma_start3A] : memref<2x10240x128xf32, #tpu.memory_space<hbm>> -> memref<1x640x128xf32, #tpu.memory_space<hbm>>
      %dma_start3A_18 = tpu.memref_squeeze %dma_start3A_17 : memref<1x640x128xf32, #tpu.memory_space<hbm>> -> memref<640x128xf32, #tpu.memory_space<hbm>>
      %dma_start3A_19 = arith.constant 0 : i32
      %dma_start3A_20 = tpu.memref_slice %arg10[%mul3A_2, %dma_start3A_19] : memref<10240x128xf32, #tpu.memory_space<vmem_shared>> -> memref<640x128xf32, #tpu.memory_space<vmem_shared>>
      tpu.enqueue_dma source(%dma_start3A_20 : memref<640x128xf32, #tpu.memory_space<vmem_shared>>) target(%dma_start3A_18 : memref<640x128xf32, #tpu.memory_space<hbm>>) target_semaphore(%run_scoped3A : memref<!tpu.dma_semaphore, #tpu.memory_space<semaphore_mem>>)
      %dma_wait3A = arith.constant 0 : i32
      %dma_wait3A_21 = tpu.memref_slice %arg6[%arg0, %mul3A_2, %dma_wait3A] : memref<2x10240x128xf32, #tpu.memory_space<hbm>> -> memref<1x640x128xf32, #tpu.memory_space<hbm>>
      %dma_wait3A_22 = tpu.memref_squeeze %dma_wait3A_21 : memref<1x640x128xf32, #tpu.memory_space<hbm>> -> memref<640x128xf32, #tpu.memory_space<hbm>>
      %dma_wait3A_23 = arith.constant 0 : i32
      %dma_wait3A_24 = tpu.memref_slice %arg10[%mul3A_2, %dma_wait3A_23] : memref<10240x128xf32, #tpu.memory_space<vmem_shared>> -> memref<640x128xf32, #tpu.memory_space<vmem_shared>>
      tpu.wait_dma2 semaphore(%run_scoped3A : memref<!tpu.dma_semaphore, #tpu.memory_space<semaphore_mem>>) src(%dma_wait3A_24 : memref<640x128xf32, #tpu.memory_space<vmem_shared>>) dst(%dma_wait3A_22 : memref<640x128xf32, #tpu.memory_space<hbm>>)
      tpu.yield
    }) : () -> ()
    return
  }
}

#map = affine_map<(d0, d1) -> (0, 0)>
#map1 = affine_map<(d0, d1) -> (0)>
#map2 = affine_map<(d0, d1) -> (0, 0, 0)>
module attributes {stable_mosaic.version = 14 : i64} {
  func.func @body(%arg0: i32, %arg1: i32, %arg2: memref<61440x128xf32, #tpu.memory_space<hbm>>, %arg3: memref<320000xi32, #tpu.memory_space<hbm>>, %arg4: memref<320000xi32, #tpu.memory_space<hbm>>, %arg5: memref<10240x128xf32, #tpu.memory_space<hbm>>, %arg6: memref<2x10240x128xf32, #tpu.memory_space<hbm>>, %arg7: memref<128xi32, #tpu.memory_space<vmem>>, %arg8: memref<128xi32, #tpu.memory_space<vmem>>, %arg9: memref<128x128xf32, #tpu.memory_space<vmem>>, %arg10: memref<10240x128xf32, #tpu.memory_space<vmem_shared>>, %arg11: memref<!tpu.dma_semaphore, #tpu.memory_space<semaphore_mem>>) attributes {dimension_semantics = [#tpu.dimension_semantics<core_parallel>, #tpu.dimension_semantics<subcore_parallel>], iteration_bounds = array<i64: 2, 16>, scalar_prefetch = 0 : i64, scratch_operands = 5 : i64, tpu.core_type = #tpu.core_type<sc_vector_subcore>, window_params = [{transform_indices = #map}, {transform_indices = #map1}, {transform_indices = #map1}, {transform_indices = #map}, {transform_indices = #map2}]} {
    %mul3A = arith.constant 2 : i32
    %mul3A_0 = arith.muli %arg1, %mul3A : i32
    %add3A = arith.addi %mul3A_0, %arg0 : i32
    %mul3A_1 = arith.constant 640 : i32
    %mul3A_2 = arith.muli %arg1, %mul3A_1 : i32
    "tpu.region"() ({
      %run_scoped3A = tpu.sem_alloc : memref<!tpu.dma_semaphore, #tpu.memory_space<semaphore_mem>>
      %dma_start3A = arith.constant 0 : i32
      %dma_start3A_17 = tpu.memref_slice %arg10[%mul3A_2, %dma_start3A] : memref<10240x128xf32, #tpu.memory_space<vmem_shared>> -> memref<640x128xf32, #tpu.memory_space<vmem_shared>>
      %dma_start3A_18 = arith.constant 0 : i32
      %dma_start3A_19 = tpu.memref_slice %arg5[%mul3A_2, %dma_start3A_18] : memref<10240x128xf32, #tpu.memory_space<hbm>> -> memref<640x128xf32, #tpu.memory_space<hbm>>
      tpu.enqueue_dma source(%dma_start3A_19 : memref<640x128xf32, #tpu.memory_space<hbm>>) target(%dma_start3A_17 : memref<640x128xf32, #tpu.memory_space<vmem_shared>>) target_semaphore(%run_scoped3A : memref<!tpu.dma_semaphore, #tpu.memory_space<semaphore_mem>>)
      %dma_wait3A = arith.constant 0 : i32
      %dma_wait3A_20 = tpu.memref_slice %arg10[%mul3A_2, %dma_wait3A] : memref<10240x128xf32, #tpu.memory_space<vmem_shared>> -> memref<640x128xf32, #tpu.memory_space<vmem_shared>>
      %dma_wait3A_21 = arith.constant 0 : i32
      %dma_wait3A_22 = tpu.memref_slice %arg5[%mul3A_2, %dma_wait3A_21] : memref<10240x128xf32, #tpu.memory_space<hbm>> -> memref<640x128xf32, #tpu.memory_space<hbm>>
      tpu.wait_dma2 semaphore(%run_scoped3A : memref<!tpu.dma_semaphore, #tpu.memory_space<semaphore_mem>>) src(%dma_wait3A_22 : memref<640x128xf32, #tpu.memory_space<hbm>>) dst(%dma_wait3A_20 : memref<640x128xf32, #tpu.memory_space<vmem_shared>>)
      tpu.yield
    }) : () -> ()
    %barrier3A = arith.constant 0 : index
    tpu.barrier barrier_id(%barrier3A)
    %lt3A = arith.constant 4 : i32
    %lt3A_3 = arith.cmpi slt, %add3A, %lt3A : i32
    %jit3A = arith.constant 1 : i32
    %jit3A_4 = arith.constant 0 : i32
    %select_n3A = arith.select %lt3A_3, %jit3A, %jit3A_4 : i32
    %add3A_5 = arith.constant 78 : i32
    %add3A_6 = arith.addi %add3A_5, %select_n3A : i32
    %while3A = arith.constant 0 : i32
    %while3A_7 = arith.constant 0 : i32
    %while3A_8 = arith.subi %add3A_6, %while3A_7 : i32
    %while3A_9 = arith.addi %while3A_7, %while3A_8 : i32
    %while3A_10 = arith.constant 1 : i32
    %while3A_11 = arith.divsi %while3A_8, %while3A_10 : i32
    %while3A_12 = arith.muli %while3A_11, %while3A_10 : i32
    %while3A_13 = arith.addi %while3A_7, %while3A_12 : i32
    %while3A_14 = arith.constant 1 : i32
    scf.for %while3A_17 = %while3A_7 to %while3A_13 step %while3A_14  : i32 {
      %mul3A_18 = arith.constant 32 : i32
      %mul3A_19 = arith.muli %while3A_17, %mul3A_18 : i32
      %add3A_20 = arith.addi %mul3A_19, %add3A : i32
      %mul3A_21 = arith.constant 128 : i32
      %mul3A_22 = arith.muli %add3A_20, %mul3A_21 : i32
      "tpu.region"() ({
        %run_scoped3A = tpu.sem_alloc : memref<!tpu.dma_semaphore, #tpu.memory_space<semaphore_mem>>
        %dma_start3A_27 = tpu.memref_slice %arg3[%mul3A_22] : memref<320000xi32, #tpu.memory_space<hbm>> -> memref<128xi32, #tpu.memory_space<hbm>>
        %dma_start3A_28 = tpu.memref_slice %arg3[%mul3A_22] : memref<320000xi32, #tpu.memory_space<hbm>> -> memref<128xi32, #tpu.memory_space<hbm>>
        tpu.enqueue_dma source(%dma_start3A_28 : memref<128xi32, #tpu.memory_space<hbm>>) target(%arg7 : memref<128xi32, #tpu.memory_space<vmem>>) target_semaphore(%run_scoped3A : memref<!tpu.dma_semaphore, #tpu.memory_space<semaphore_mem>>)
        %dma_wait3A_29 = tpu.memref_slice %arg3[%mul3A_22] : memref<320000xi32, #tpu.memory_space<hbm>> -> memref<128xi32, #tpu.memory_space<hbm>>
        %dma_wait3A_30 = tpu.memref_slice %arg3[%mul3A_22] : memref<320000xi32, #tpu.memory_space<hbm>> -> memref<128xi32, #tpu.memory_space<hbm>>
        tpu.wait_dma2 semaphore(%run_scoped3A : memref<!tpu.dma_semaphore, #tpu.memory_space<semaphore_mem>>) src(%dma_wait3A_30 : memref<128xi32, #tpu.memory_space<hbm>>) dst(%arg7 : memref<128xi32, #tpu.memory_space<vmem>>)
        tpu.yield
      }) : () -> ()
      "tpu.region"() ({
        %run_scoped3A = tpu.sem_alloc : memref<!tpu.dma_semaphore, #tpu.memory_space<semaphore_mem>>
        %dma_start3A_27 = tpu.memref_slice %arg4[%mul3A_22] : memref<320000xi32, #tpu.memory_space<hbm>> -> memref<128xi32, #tpu.memory_space<hbm>>
        %dma_start3A_28 = tpu.memref_slice %arg4[%mul3A_22] : memref<320000xi32, #tpu.memory_space<hbm>> -> memref<128xi32, #tpu.memory_space<hbm>>
        tpu.enqueue_dma source(%dma_start3A_28 : memref<128xi32, #tpu.memory_space<hbm>>) target(%arg8 : memref<128xi32, #tpu.memory_space<vmem>>) target_semaphore(%run_scoped3A : memref<!tpu.dma_semaphore, #tpu.memory_space<semaphore_mem>>)
        %dma_wait3A_29 = tpu.memref_slice %arg4[%mul3A_22] : memref<320000xi32, #tpu.memory_space<hbm>> -> memref<128xi32, #tpu.memory_space<hbm>>
        %dma_wait3A_30 = tpu.memref_slice %arg4[%mul3A_22] : memref<320000xi32, #tpu.memory_space<hbm>> -> memref<128xi32, #tpu.memory_space<hbm>>
        tpu.wait_dma2 semaphore(%run_scoped3A : memref<!tpu.dma_semaphore, #tpu.memory_space<semaphore_mem>>) src(%dma_wait3A_30 : memref<128xi32, #tpu.memory_space<hbm>>) dst(%arg8 : memref<128xi32, #tpu.memory_space<vmem>>)
        tpu.yield
      }) : () -> ()
      %dma_start3A = arith.constant 0 : i32
      %dma_start3A_23 = arith.constant 0 : i32
      %dma_start3A_24 = tpu.memref_slice %arg2[%dma_start3A, %dma_start3A_23] : memref<61440x128xf32, #tpu.memory_space<hbm>> -> memref<61440x128xf32, #tpu.memory_space<hbm>>
      tpu.enqueue_indirect_dma source(%dma_start3A_24 : memref<61440x128xf32, #tpu.memory_space<hbm>>) target(%arg9 : memref<128x128xf32, #tpu.memory_space<vmem>>) offsets(%arg7 : memref<128xi32, #tpu.memory_space<vmem>>) semaphore(%arg11 : memref<!tpu.dma_semaphore, #tpu.memory_space<semaphore_mem>>)
      %dma_wait3A = arith.constant 0 : i32
      %dma_wait3A_25 = arith.constant 0 : i32
      %dma_wait3A_26 = tpu.memref_slice %arg2[%dma_wait3A, %dma_wait3A_25] : memref<61440x128xf32, #tpu.memory_space<hbm>> -> memref<61440x128xf32, #tpu.memory_space<hbm>>
      tpu.wait_indirect_dma semaphore(%arg11 : memref<!tpu.dma_semaphore, #tpu.memory_space<semaphore_mem>>) src(%dma_wait3A_26 : memref<61440x128xf32, #tpu.memory_space<hbm>>) dst(%arg9 : memref<128x128xf32, #tpu.memory_space<vmem>>)
      "tpu.region"() ({
        %run_scoped3A = tpu.sem_alloc : memref<!tpu.dma_semaphore, #tpu.memory_space<semaphore_mem>>
        %dma_start3A_27 = arith.constant 0 : i32
        %dma_start3A_28 = arith.constant 0 : i32
        %dma_start3A_29 = tpu.memref_slice %arg10[%dma_start3A_27, %dma_start3A_28] : memref<10240x128xf32, #tpu.memory_space<vmem_shared>> -> memref<10240x128xf32, #tpu.memory_space<vmem_shared>>
        tpu.enqueue_indirect_dma source(%arg9 : memref<128x128xf32, #tpu.memory_space<vmem>>) target(%dma_start3A_29 : memref<10240x128xf32, #tpu.memory_space<vmem_shared>>) offsets(%arg8 : memref<128xi32, #tpu.memory_space<vmem>>) semaphore(%run_scoped3A : memref<!tpu.dma_semaphore, #tpu.memory_space<semaphore_mem>>) {add = true}
        %dma_wait3A_30 = arith.constant 0 : i32
        %dma_wait3A_31 = arith.constant 0 : i32
        %dma_wait3A_32 = tpu.memref_slice %arg10[%dma_wait3A_30, %dma_wait3A_31] : memref<10240x128xf32, #tpu.memory_space<vmem_shared>> -> memref<10240x128xf32, #tpu.memory_space<vmem_shared>>
        tpu.wait_indirect_dma semaphore(%run_scoped3A : memref<!tpu.dma_semaphore, #tpu.memory_space<semaphore_mem>>) src(%arg9 : memref<128x128xf32, #tpu.memory_space<vmem>>) dst(%dma_wait3A_32 : memref<10240x128xf32, #tpu.memory_space<vmem_shared>>)
        tpu.yield
      }) : () -> ()
    }
    %while3A_15 = arith.constant 1 : i32
    scf.for %while3A_17 = %while3A_13 to %while3A_9 step %while3A_15  : i32 {
      %mul3A_18 = arith.constant 32 : i32
      %mul3A_19 = arith.muli %while3A_17, %mul3A_18 : i32
      %add3A_20 = arith.addi %mul3A_19, %add3A : i32
      %mul3A_21 = arith.constant 128 : i32
      %mul3A_22 = arith.muli %add3A_20, %mul3A_21 : i32
      "tpu.region"() ({
        %run_scoped3A = tpu.sem_alloc : memref<!tpu.dma_semaphore, #tpu.memory_space<semaphore_mem>>
        %dma_start3A_27 = tpu.memref_slice %arg3[%mul3A_22] : memref<320000xi32, #tpu.memory_space<hbm>> -> memref<128xi32, #tpu.memory_space<hbm>>
        %dma_start3A_28 = tpu.memref_slice %arg3[%mul3A_22] : memref<320000xi32, #tpu.memory_space<hbm>> -> memref<128xi32, #tpu.memory_space<hbm>>
        tpu.enqueue_dma source(%dma_start3A_28 : memref<128xi32, #tpu.memory_space<hbm>>) target(%arg7 : memref<128xi32, #tpu.memory_space<vmem>>) target_semaphore(%run_scoped3A : memref<!tpu.dma_semaphore, #tpu.memory_space<semaphore_mem>>)
        %dma_wait3A_29 = tpu.memref_slice %arg3[%mul3A_22] : memref<320000xi32, #tpu.memory_space<hbm>> -> memref<128xi32, #tpu.memory_space<hbm>>
        %dma_wait3A_30 = tpu.memref_slice %arg3[%mul3A_22] : memref<320000xi32, #tpu.memory_space<hbm>> -> memref<128xi32, #tpu.memory_space<hbm>>
        tpu.wait_dma2 semaphore(%run_scoped3A : memref<!tpu.dma_semaphore, #tpu.memory_space<semaphore_mem>>) src(%dma_wait3A_30 : memref<128xi32, #tpu.memory_space<hbm>>) dst(%arg7 : memref<128xi32, #tpu.memory_space<vmem>>)
        tpu.yield
      }) : () -> ()
      "tpu.region"() ({
        %run_scoped3A = tpu.sem_alloc : memref<!tpu.dma_semaphore, #tpu.memory_space<semaphore_mem>>
        %dma_start3A_27 = tpu.memref_slice %arg4[%mul3A_22] : memref<320000xi32, #tpu.memory_space<hbm>> -> memref<128xi32, #tpu.memory_space<hbm>>
        %dma_start3A_28 = tpu.memref_slice %arg4[%mul3A_22] : memref<320000xi32, #tpu.memory_space<hbm>> -> memref<128xi32, #tpu.memory_space<hbm>>
        tpu.enqueue_dma source(%dma_start3A_28 : memref<128xi32, #tpu.memory_space<hbm>>) target(%arg8 : memref<128xi32, #tpu.memory_space<vmem>>) target_semaphore(%run_scoped3A : memref<!tpu.dma_semaphore, #tpu.memory_space<semaphore_mem>>)
        %dma_wait3A_29 = tpu.memref_slice %arg4[%mul3A_22] : memref<320000xi32, #tpu.memory_space<hbm>> -> memref<128xi32, #tpu.memory_space<hbm>>
        %dma_wait3A_30 = tpu.memref_slice %arg4[%mul3A_22] : memref<320000xi32, #tpu.memory_space<hbm>> -> memref<128xi32, #tpu.memory_space<hbm>>
        tpu.wait_dma2 semaphore(%run_scoped3A : memref<!tpu.dma_semaphore, #tpu.memory_space<semaphore_mem>>) src(%dma_wait3A_30 : memref<128xi32, #tpu.memory_space<hbm>>) dst(%arg8 : memref<128xi32, #tpu.memory_space<vmem>>)
        tpu.yield
      }) : () -> ()
      %dma_start3A = arith.constant 0 : i32
      %dma_start3A_23 = arith.constant 0 : i32
      %dma_start3A_24 = tpu.memref_slice %arg2[%dma_start3A, %dma_start3A_23] : memref<61440x128xf32, #tpu.memory_space<hbm>> -> memref<61440x128xf32, #tpu.memory_space<hbm>>
      tpu.enqueue_indirect_dma source(%dma_start3A_24 : memref<61440x128xf32, #tpu.memory_space<hbm>>) target(%arg9 : memref<128x128xf32, #tpu.memory_space<vmem>>) offsets(%arg7 : memref<128xi32, #tpu.memory_space<vmem>>) semaphore(%arg11 : memref<!tpu.dma_semaphore, #tpu.memory_space<semaphore_mem>>)
      %dma_wait3A = arith.constant 0 : i32
      %dma_wait3A_25 = arith.constant 0 : i32
      %dma_wait3A_26 = tpu.memref_slice %arg2[%dma_wait3A, %dma_wait3A_25] : memref<61440x128xf32, #tpu.memory_space<hbm>> -> memref<61440x128xf32, #tpu.memory_space<hbm>>
      tpu.wait_indirect_dma semaphore(%arg11 : memref<!tpu.dma_semaphore, #tpu.memory_space<semaphore_mem>>) src(%dma_wait3A_26 : memref<61440x128xf32, #tpu.memory_space<hbm>>) dst(%arg9 : memref<128x128xf32, #tpu.memory_space<vmem>>)
      "tpu.region"() ({
        %run_scoped3A = tpu.sem_alloc : memref<!tpu.dma_semaphore, #tpu.memory_space<semaphore_mem>>
        %dma_start3A_27 = arith.constant 0 : i32
        %dma_start3A_28 = arith.constant 0 : i32
        %dma_start3A_29 = tpu.memref_slice %arg10[%dma_start3A_27, %dma_start3A_28] : memref<10240x128xf32, #tpu.memory_space<vmem_shared>> -> memref<10240x128xf32, #tpu.memory_space<vmem_shared>>
        tpu.enqueue_indirect_dma source(%arg9 : memref<128x128xf32, #tpu.memory_space<vmem>>) target(%dma_start3A_29 : memref<10240x128xf32, #tpu.memory_space<vmem_shared>>) offsets(%arg8 : memref<128xi32, #tpu.memory_space<vmem>>) semaphore(%run_scoped3A : memref<!tpu.dma_semaphore, #tpu.memory_space<semaphore_mem>>) {add = true}
        %dma_wait3A_30 = arith.constant 0 : i32
        %dma_wait3A_31 = arith.constant 0 : i32
        %dma_wait3A_32 = tpu.memref_slice %arg10[%dma_wait3A_30, %dma_wait3A_31] : memref<10240x128xf32, #tpu.memory_space<vmem_shared>> -> memref<10240x128xf32, #tpu.memory_space<vmem_shared>>
        tpu.wait_indirect_dma semaphore(%run_scoped3A : memref<!tpu.dma_semaphore, #tpu.memory_space<semaphore_mem>>) src(%arg9 : memref<128x128xf32, #tpu.memory_space<vmem>>) dst(%dma_wait3A_32 : memref<10240x128xf32, #tpu.memory_space<vmem_shared>>)
        tpu.yield
      }) : () -> ()
    }
    %barrier3A_16 = arith.constant 0 : index
    tpu.barrier barrier_id(%barrier3A_16)
    "tpu.region"() ({
      %run_scoped3A = tpu.sem_alloc : memref<!tpu.dma_semaphore, #tpu.memory_space<semaphore_mem>>
      %dma_start3A = arith.constant 0 : i32
      %dma_start3A_17 = tpu.memref_slice %arg6[%arg0, %mul3A_2, %dma_start3A] : memref<2x10240x128xf32, #tpu.memory_space<hbm>> -> memref<1x640x128xf32, #tpu.memory_space<hbm>>
      %dma_start3A_18 = tpu.memref_squeeze %dma_start3A_17 : memref<1x640x128xf32, #tpu.memory_space<hbm>> -> memref<640x128xf32, #tpu.memory_space<hbm>>
      %dma_start3A_19 = arith.constant 0 : i32
      %dma_start3A_20 = tpu.memref_slice %arg10[%mul3A_2, %dma_start3A_19] : memref<10240x128xf32, #tpu.memory_space<vmem_shared>> -> memref<640x128xf32, #tpu.memory_space<vmem_shared>>
      tpu.enqueue_dma source(%dma_start3A_20 : memref<640x128xf32, #tpu.memory_space<vmem_shared>>) target(%dma_start3A_18 : memref<640x128xf32, #tpu.memory_space<hbm>>) target_semaphore(%run_scoped3A : memref<!tpu.dma_semaphore, #tpu.memory_space<semaphore_mem>>)
      %dma_wait3A = arith.constant 0 : i32
      %dma_wait3A_21 = tpu.memref_slice %arg6[%arg0, %mul3A_2, %dma_wait3A] : memref<2x10240x128xf32, #tpu.memory_space<hbm>> -> memref<1x640x128xf32, #tpu.memory_space<hbm>>
      %dma_wait3A_22 = tpu.memref_squeeze %dma_wait3A_21 : memref<1x640x128xf32, #tpu.memory_space<hbm>> -> memref<640x128xf32, #tpu.memory_space<hbm>>
      %dma_wait3A_23 = arith.constant 0 : i32
      %dma_wait3A_24 = tpu.memref_slice %arg10[%mul3A_2, %dma_wait3A_23] : memref<10240x128xf32, #tpu.memory_space<vmem_shared>> -> memref<640x128xf32, #tpu.memory_space<vmem_shared>>
      tpu.wait_dma2 semaphore(%run_scoped3A : memref<!tpu.dma_semaphore, #tpu.memory_space<semaphore_mem>>) src(%dma_wait3A_24 : memref<640x128xf32, #tpu.memory_space<vmem_shared>>) dst(%dma_wait3A_22 : memref<640x128xf32, #tpu.memory_space<hbm>>)
      tpu.yield
    }) : () -> ()
    return
  }
}

#map = affine_map<(d0, d1) -> (0, 0)>
#map1 = affine_map<(d0, d1) -> (0)>
#map2 = affine_map<(d0, d1) -> (0, 0, 0)>
module attributes {stable_mosaic.version = 14 : i64} {
  func.func @body(%arg0: i32, %arg1: i32, %arg2: memref<61440x128xf32, #tpu.memory_space<hbm>>, %arg3: memref<320000xi32, #tpu.memory_space<hbm>>, %arg4: memref<320000xi32, #tpu.memory_space<hbm>>, %arg5: memref<10240x128xf32, #tpu.memory_space<hbm>>, %arg6: memref<2x10240x128xf32, #tpu.memory_space<hbm>>, %arg7: memref<128xi32, #tpu.memory_space<vmem>>, %arg8: memref<128xi32, #tpu.memory_space<vmem>>, %arg9: memref<128x128xf32, #tpu.memory_space<vmem>>, %arg10: memref<10240x128xf32, #tpu.memory_space<vmem_shared>>, %arg11: memref<!tpu.dma_semaphore, #tpu.memory_space<semaphore_mem>>) attributes {dimension_semantics = [#tpu.dimension_semantics<core_parallel>, #tpu.dimension_semantics<subcore_parallel>], iteration_bounds = array<i64: 2, 16>, scalar_prefetch = 0 : i64, scratch_operands = 5 : i64, tpu.core_type = #tpu.core_type<sc_vector_subcore>, window_params = [{transform_indices = #map}, {transform_indices = #map1}, {transform_indices = #map1}, {transform_indices = #map}, {transform_indices = #map2}]} {
    %mul3A = arith.constant 2 : i32
    %mul3A_0 = arith.muli %arg1, %mul3A : i32
    %add3A = arith.addi %mul3A_0, %arg0 : i32
    %mul3A_1 = arith.constant 640 : i32
    %mul3A_2 = arith.muli %arg1, %mul3A_1 : i32
    "tpu.region"() ({
      %run_scoped3A = tpu.sem_alloc : memref<!tpu.dma_semaphore, #tpu.memory_space<semaphore_mem>>
      %dma_start3A = arith.constant 0 : i32
      %dma_start3A_17 = tpu.memref_slice %arg10[%mul3A_2, %dma_start3A] : memref<10240x128xf32, #tpu.memory_space<vmem_shared>> -> memref<640x128xf32, #tpu.memory_space<vmem_shared>>
      %dma_start3A_18 = arith.constant 0 : i32
      %dma_start3A_19 = tpu.memref_slice %arg5[%mul3A_2, %dma_start3A_18] : memref<10240x128xf32, #tpu.memory_space<hbm>> -> memref<640x128xf32, #tpu.memory_space<hbm>>
      tpu.enqueue_dma source(%dma_start3A_19 : memref<640x128xf32, #tpu.memory_space<hbm>>) target(%dma_start3A_17 : memref<640x128xf32, #tpu.memory_space<vmem_shared>>) target_semaphore(%run_scoped3A : memref<!tpu.dma_semaphore, #tpu.memory_space<semaphore_mem>>)
      %dma_wait3A = arith.constant 0 : i32
      %dma_wait3A_20 = tpu.memref_slice %arg10[%mul3A_2, %dma_wait3A] : memref<10240x128xf32, #tpu.memory_space<vmem_shared>> -> memref<640x128xf32, #tpu.memory_space<vmem_shared>>
      %dma_wait3A_21 = arith.constant 0 : i32
      %dma_wait3A_22 = tpu.memref_slice %arg5[%mul3A_2, %dma_wait3A_21] : memref<10240x128xf32, #tpu.memory_space<hbm>> -> memref<640x128xf32, #tpu.memory_space<hbm>>
      tpu.wait_dma2 semaphore(%run_scoped3A : memref<!tpu.dma_semaphore, #tpu.memory_space<semaphore_mem>>) src(%dma_wait3A_22 : memref<640x128xf32, #tpu.memory_space<hbm>>) dst(%dma_wait3A_20 : memref<640x128xf32, #tpu.memory_space<vmem_shared>>)
      tpu.yield
    }) : () -> ()
    %barrier3A = arith.constant 0 : index
    tpu.barrier barrier_id(%barrier3A)
    %lt3A = arith.constant 4 : i32
    %lt3A_3 = arith.cmpi slt, %add3A, %lt3A : i32
    %jit3A = arith.constant 1 : i32
    %jit3A_4 = arith.constant 0 : i32
    %select_n3A = arith.select %lt3A_3, %jit3A, %jit3A_4 : i32
    %add3A_5 = arith.constant 78 : i32
    %add3A_6 = arith.addi %add3A_5, %select_n3A : i32
    %while3A = arith.constant 0 : i32
    %while3A_7 = arith.constant 0 : i32
    %while3A_8 = arith.subi %add3A_6, %while3A_7 : i32
    %while3A_9 = arith.addi %while3A_7, %while3A_8 : i32
    %while3A_10 = arith.constant 1 : i32
    %while3A_11 = arith.divsi %while3A_8, %while3A_10 : i32
    %while3A_12 = arith.muli %while3A_11, %while3A_10 : i32
    %while3A_13 = arith.addi %while3A_7, %while3A_12 : i32
    %while3A_14 = arith.constant 1 : i32
    scf.for %while3A_17 = %while3A_7 to %while3A_13 step %while3A_14  : i32 {
      %mul3A_18 = arith.constant 32 : i32
      %mul3A_19 = arith.muli %while3A_17, %mul3A_18 : i32
      %add3A_20 = arith.addi %mul3A_19, %add3A : i32
      %mul3A_21 = arith.constant 128 : i32
      %mul3A_22 = arith.muli %add3A_20, %mul3A_21 : i32
      "tpu.region"() ({
        %run_scoped3A = tpu.sem_alloc : memref<!tpu.dma_semaphore, #tpu.memory_space<semaphore_mem>>
        %dma_start3A_27 = tpu.memref_slice %arg3[%mul3A_22] : memref<320000xi32, #tpu.memory_space<hbm>> -> memref<128xi32, #tpu.memory_space<hbm>>
        %dma_start3A_28 = tpu.memref_slice %arg3[%mul3A_22] : memref<320000xi32, #tpu.memory_space<hbm>> -> memref<128xi32, #tpu.memory_space<hbm>>
        tpu.enqueue_dma source(%dma_start3A_28 : memref<128xi32, #tpu.memory_space<hbm>>) target(%arg7 : memref<128xi32, #tpu.memory_space<vmem>>) target_semaphore(%run_scoped3A : memref<!tpu.dma_semaphore, #tpu.memory_space<semaphore_mem>>)
        %dma_wait3A_29 = tpu.memref_slice %arg3[%mul3A_22] : memref<320000xi32, #tpu.memory_space<hbm>> -> memref<128xi32, #tpu.memory_space<hbm>>
        %dma_wait3A_30 = tpu.memref_slice %arg3[%mul3A_22] : memref<320000xi32, #tpu.memory_space<hbm>> -> memref<128xi32, #tpu.memory_space<hbm>>
        tpu.wait_dma2 semaphore(%run_scoped3A : memref<!tpu.dma_semaphore, #tpu.memory_space<semaphore_mem>>) src(%dma_wait3A_30 : memref<128xi32, #tpu.memory_space<hbm>>) dst(%arg7 : memref<128xi32, #tpu.memory_space<vmem>>)
        tpu.yield
      }) : () -> ()
      "tpu.region"() ({
        %run_scoped3A = tpu.sem_alloc : memref<!tpu.dma_semaphore, #tpu.memory_space<semaphore_mem>>
        %dma_start3A_27 = tpu.memref_slice %arg4[%mul3A_22] : memref<320000xi32, #tpu.memory_space<hbm>> -> memref<128xi32, #tpu.memory_space<hbm>>
        %dma_start3A_28 = tpu.memref_slice %arg4[%mul3A_22] : memref<320000xi32, #tpu.memory_space<hbm>> -> memref<128xi32, #tpu.memory_space<hbm>>
        tpu.enqueue_dma source(%dma_start3A_28 : memref<128xi32, #tpu.memory_space<hbm>>) target(%arg8 : memref<128xi32, #tpu.memory_space<vmem>>) target_semaphore(%run_scoped3A : memref<!tpu.dma_semaphore, #tpu.memory_space<semaphore_mem>>)
        %dma_wait3A_29 = tpu.memref_slice %arg4[%mul3A_22] : memref<320000xi32, #tpu.memory_space<hbm>> -> memref<128xi32, #tpu.memory_space<hbm>>
        %dma_wait3A_30 = tpu.memref_slice %arg4[%mul3A_22] : memref<320000xi32, #tpu.memory_space<hbm>> -> memref<128xi32, #tpu.memory_space<hbm>>
        tpu.wait_dma2 semaphore(%run_scoped3A : memref<!tpu.dma_semaphore, #tpu.memory_space<semaphore_mem>>) src(%dma_wait3A_30 : memref<128xi32, #tpu.memory_space<hbm>>) dst(%arg8 : memref<128xi32, #tpu.memory_space<vmem>>)
        tpu.yield
      }) : () -> ()
      %dma_start3A = arith.constant 0 : i32
      %dma_start3A_23 = arith.constant 0 : i32
      %dma_start3A_24 = tpu.memref_slice %arg2[%dma_start3A, %dma_start3A_23] : memref<61440x128xf32, #tpu.memory_space<hbm>> -> memref<61440x128xf32, #tpu.memory_space<hbm>>
      tpu.enqueue_indirect_dma source(%dma_start3A_24 : memref<61440x128xf32, #tpu.memory_space<hbm>>) target(%arg9 : memref<128x128xf32, #tpu.memory_space<vmem>>) offsets(%arg7 : memref<128xi32, #tpu.memory_space<vmem>>) semaphore(%arg11 : memref<!tpu.dma_semaphore, #tpu.memory_space<semaphore_mem>>)
      %dma_wait3A = arith.constant 0 : i32
      %dma_wait3A_25 = arith.constant 0 : i32
      %dma_wait3A_26 = tpu.memref_slice %arg2[%dma_wait3A, %dma_wait3A_25] : memref<61440x128xf32, #tpu.memory_space<hbm>> -> memref<61440x128xf32, #tpu.memory_space<hbm>>
      tpu.wait_indirect_dma semaphore(%arg11 : memref<!tpu.dma_semaphore, #tpu.memory_space<semaphore_mem>>) src(%dma_wait3A_26 : memref<61440x128xf32, #tpu.memory_space<hbm>>) dst(%arg9 : memref<128x128xf32, #tpu.memory_space<vmem>>)
      "tpu.region"() ({
        %run_scoped3A = tpu.sem_alloc : memref<!tpu.dma_semaphore, #tpu.memory_space<semaphore_mem>>
        %dma_start3A_27 = arith.constant 0 : i32
        %dma_start3A_28 = arith.constant 0 : i32
        %dma_start3A_29 = tpu.memref_slice %arg10[%dma_start3A_27, %dma_start3A_28] : memref<10240x128xf32, #tpu.memory_space<vmem_shared>> -> memref<10240x128xf32, #tpu.memory_space<vmem_shared>>
        tpu.enqueue_indirect_dma source(%arg9 : memref<128x128xf32, #tpu.memory_space<vmem>>) target(%dma_start3A_29 : memref<10240x128xf32, #tpu.memory_space<vmem_shared>>) offsets(%arg8 : memref<128xi32, #tpu.memory_space<vmem>>) semaphore(%run_scoped3A : memref<!tpu.dma_semaphore, #tpu.memory_space<semaphore_mem>>) {add = true}
        %dma_wait3A_30 = arith.constant 0 : i32
        %dma_wait3A_31 = arith.constant 0 : i32
        %dma_wait3A_32 = tpu.memref_slice %arg10[%dma_wait3A_30, %dma_wait3A_31] : memref<10240x128xf32, #tpu.memory_space<vmem_shared>> -> memref<10240x128xf32, #tpu.memory_space<vmem_shared>>
        tpu.wait_indirect_dma semaphore(%run_scoped3A : memref<!tpu.dma_semaphore, #tpu.memory_space<semaphore_mem>>) src(%arg9 : memref<128x128xf32, #tpu.memory_space<vmem>>) dst(%dma_wait3A_32 : memref<10240x128xf32, #tpu.memory_space<vmem_shared>>)
        tpu.yield
      }) : () -> ()
    }
    %while3A_15 = arith.constant 1 : i32
    scf.for %while3A_17 = %while3A_13 to %while3A_9 step %while3A_15  : i32 {
      %mul3A_18 = arith.constant 32 : i32
      %mul3A_19 = arith.muli %while3A_17, %mul3A_18 : i32
      %add3A_20 = arith.addi %mul3A_19, %add3A : i32
      %mul3A_21 = arith.constant 128 : i32
      %mul3A_22 = arith.muli %add3A_20, %mul3A_21 : i32
      "tpu.region"() ({
        %run_scoped3A = tpu.sem_alloc : memref<!tpu.dma_semaphore, #tpu.memory_space<semaphore_mem>>
        %dma_start3A_27 = tpu.memref_slice %arg3[%mul3A_22] : memref<320000xi32, #tpu.memory_space<hbm>> -> memref<128xi32, #tpu.memory_space<hbm>>
        %dma_start3A_28 = tpu.memref_slice %arg3[%mul3A_22] : memref<320000xi32, #tpu.memory_space<hbm>> -> memref<128xi32, #tpu.memory_space<hbm>>
        tpu.enqueue_dma source(%dma_start3A_28 : memref<128xi32, #tpu.memory_space<hbm>>) target(%arg7 : memref<128xi32, #tpu.memory_space<vmem>>) target_semaphore(%run_scoped3A : memref<!tpu.dma_semaphore, #tpu.memory_space<semaphore_mem>>)
        %dma_wait3A_29 = tpu.memref_slice %arg3[%mul3A_22] : memref<320000xi32, #tpu.memory_space<hbm>> -> memref<128xi32, #tpu.memory_space<hbm>>
        %dma_wait3A_30 = tpu.memref_slice %arg3[%mul3A_22] : memref<320000xi32, #tpu.memory_space<hbm>> -> memref<128xi32, #tpu.memory_space<hbm>>
        tpu.wait_dma2 semaphore(%run_scoped3A : memref<!tpu.dma_semaphore, #tpu.memory_space<semaphore_mem>>) src(%dma_wait3A_30 : memref<128xi32, #tpu.memory_space<hbm>>) dst(%arg7 : memref<128xi32, #tpu.memory_space<vmem>>)
        tpu.yield
      }) : () -> ()
      "tpu.region"() ({
        %run_scoped3A = tpu.sem_alloc : memref<!tpu.dma_semaphore, #tpu.memory_space<semaphore_mem>>
        %dma_start3A_27 = tpu.memref_slice %arg4[%mul3A_22] : memref<320000xi32, #tpu.memory_space<hbm>> -> memref<128xi32, #tpu.memory_space<hbm>>
        %dma_start3A_28 = tpu.memref_slice %arg4[%mul3A_22] : memref<320000xi32, #tpu.memory_space<hbm>> -> memref<128xi32, #tpu.memory_space<hbm>>
        tpu.enqueue_dma source(%dma_start3A_28 : memref<128xi32, #tpu.memory_space<hbm>>) target(%arg8 : memref<128xi32, #tpu.memory_space<vmem>>) target_semaphore(%run_scoped3A : memref<!tpu.dma_semaphore, #tpu.memory_space<semaphore_mem>>)
        %dma_wait3A_29 = tpu.memref_slice %arg4[%mul3A_22] : memref<320000xi32, #tpu.memory_space<hbm>> -> memref<128xi32, #tpu.memory_space<hbm>>
        %dma_wait3A_30 = tpu.memref_slice %arg4[%mul3A_22] : memref<320000xi32, #tpu.memory_space<hbm>> -> memref<128xi32, #tpu.memory_space<hbm>>
        tpu.wait_dma2 semaphore(%run_scoped3A : memref<!tpu.dma_semaphore, #tpu.memory_space<semaphore_mem>>) src(%dma_wait3A_30 : memref<128xi32, #tpu.memory_space<hbm>>) dst(%arg8 : memref<128xi32, #tpu.memory_space<vmem>>)
        tpu.yield
      }) : () -> ()
      %dma_start3A = arith.constant 0 : i32
      %dma_start3A_23 = arith.constant 0 : i32
      %dma_start3A_24 = tpu.memref_slice %arg2[%dma_start3A, %dma_start3A_23] : memref<61440x128xf32, #tpu.memory_space<hbm>> -> memref<61440x128xf32, #tpu.memory_space<hbm>>
      tpu.enqueue_indirect_dma source(%dma_start3A_24 : memref<61440x128xf32, #tpu.memory_space<hbm>>) target(%arg9 : memref<128x128xf32, #tpu.memory_space<vmem>>) offsets(%arg7 : memref<128xi32, #tpu.memory_space<vmem>>) semaphore(%arg11 : memref<!tpu.dma_semaphore, #tpu.memory_space<semaphore_mem>>)
      %dma_wait3A = arith.constant 0 : i32
      %dma_wait3A_25 = arith.constant 0 : i32
      %dma_wait3A_26 = tpu.memref_slice %arg2[%dma_wait3A, %dma_wait3A_25] : memref<61440x128xf32, #tpu.memory_space<hbm>> -> memref<61440x128xf32, #tpu.memory_space<hbm>>
      tpu.wait_indirect_dma semaphore(%arg11 : memref<!tpu.dma_semaphore, #tpu.memory_space<semaphore_mem>>) src(%dma_wait3A_26 : memref<61440x128xf32, #tpu.memory_space<hbm>>) dst(%arg9 : memref<128x128xf32, #tpu.memory_space<vmem>>)
      "tpu.region"() ({
        %run_scoped3A = tpu.sem_alloc : memref<!tpu.dma_semaphore, #tpu.memory_space<semaphore_mem>>
        %dma_start3A_27 = arith.constant 0 : i32
        %dma_start3A_28 = arith.constant 0 : i32
        %dma_start3A_29 = tpu.memref_slice %arg10[%dma_start3A_27, %dma_start3A_28] : memref<10240x128xf32, #tpu.memory_space<vmem_shared>> -> memref<10240x128xf32, #tpu.memory_space<vmem_shared>>
        tpu.enqueue_indirect_dma source(%arg9 : memref<128x128xf32, #tpu.memory_space<vmem>>) target(%dma_start3A_29 : memref<10240x128xf32, #tpu.memory_space<vmem_shared>>) offsets(%arg8 : memref<128xi32, #tpu.memory_space<vmem>>) semaphore(%run_scoped3A : memref<!tpu.dma_semaphore, #tpu.memory_space<semaphore_mem>>) {add = true}
        %dma_wait3A_30 = arith.constant 0 : i32
        %dma_wait3A_31 = arith.constant 0 : i32
        %dma_wait3A_32 = tpu.memref_slice %arg10[%dma_wait3A_30, %dma_wait3A_31] : memref<10240x128xf32, #tpu.memory_space<vmem_shared>> -> memref<10240x128xf32, #tpu.memory_space<vmem_shared>>
        tpu.wait_indirect_dma semaphore(%run_scoped3A : memref<!tpu.dma_semaphore, #tpu.memory_space<semaphore_mem>>) src(%arg9 : memref<128x128xf32, #tpu.memory_space<vmem>>) dst(%dma_wait3A_32 : memref<10240x128xf32, #tpu.memory_space<vmem_shared>>)
        tpu.yield
      }) : () -> ()
    }
    %barrier3A_16 = arith.constant 0 : index
    tpu.barrier barrier_id(%barrier3A_16)
    "tpu.region"() ({
      %run_scoped3A = tpu.sem_alloc : memref<!tpu.dma_semaphore, #tpu.memory_space<semaphore_mem>>
      %dma_start3A = arith.constant 0 : i32
      %dma_start3A_17 = tpu.memref_slice %arg6[%arg0, %mul3A_2, %dma_start3A] : memref<2x10240x128xf32, #tpu.memory_space<hbm>> -> memref<1x640x128xf32, #tpu.memory_space<hbm>>
      %dma_start3A_18 = tpu.memref_squeeze %dma_start3A_17 : memref<1x640x128xf32, #tpu.memory_space<hbm>> -> memref<640x128xf32, #tpu.memory_space<hbm>>
      %dma_start3A_19 = arith.constant 0 : i32
      %dma_start3A_20 = tpu.memref_slice %arg10[%mul3A_2, %dma_start3A_19] : memref<10240x128xf32, #tpu.memory_space<vmem_shared>> -> memref<640x128xf32, #tpu.memory_space<vmem_shared>>
      tpu.enqueue_dma source(%dma_start3A_20 : memref<640x128xf32, #tpu.memory_space<vmem_shared>>) target(%dma_start3A_18 : memref<640x128xf32, #tpu.memory_space<hbm>>) target_semaphore(%run_scoped3A : memref<!tpu.dma_semaphore, #tpu.memory_space<semaphore_mem>>)
      %dma_wait3A = arith.constant 0 : i32
      %dma_wait3A_21 = tpu.memref_slice %arg6[%arg0, %mul3A_2, %dma_wait3A] : memref<2x10240x128xf32, #tpu.memory_space<hbm>> -> memref<1x640x128xf32, #tpu.memory_space<hbm>>
      %dma_wait3A_22 = tpu.memref_squeeze %dma_wait3A_21 : memref<1x640x128xf32, #tpu.memory_space<hbm>> -> memref<640x128xf32, #tpu.memory_space<hbm>>
      %dma_wait3A_23 = arith.constant 0 : i32
      %dma_wait3A_24 = tpu.memref_slice %arg10[%mul3A_2, %dma_wait3A_23] : memref<10240x128xf32, #tpu.memory_space<vmem_shared>> -> memref<640x128xf32, #tpu.memory_space<vmem_shared>>
      tpu.wait_dma2 semaphore(%run_scoped3A : memref<!tpu.dma_semaphore, #tpu.memory_space<semaphore_mem>>) src(%dma_wait3A_24 : memref<640x128xf32, #tpu.memory_space<vmem_shared>>) dst(%dma_wait3A_22 : memref<640x128xf32, #tpu.memory_space<hbm>>)
      tpu.yield
    }) : () -> ()
    return
  }
}

module attributes {stable_mosaic.version = 14 : i64} {
  func.func @_lower_body(%arg0: i32, %arg1: memref<1024x256xf32, #tpu.memory_space<vmem>>, %arg2: memref<256x128xf32, #tpu.memory_space<vmem>>, %arg3: memref<1x128xf32, #tpu.memory_space<vmem>>, %arg4: memref<1024x128xf32, #tpu.memory_space<vmem>>) attributes {dimension_semantics = [#tpu.dimension_semantics<arbitrary>], iteration_bounds = array<i64: 10>, scalar_prefetch = 0 : i64, scratch_operands = 0 : i64, tpu.core_type = #tpu.core_type<tc>, window_params = [{transform_indices = @transform_0, window_bounds = array<i64: 1024, 256>}, {pipeline_mode = #tpu.pipeline_mode<synchronous>, transform_indices = @transform_1, window_bounds = array<i64: 256, 128>}, {pipeline_mode = #tpu.pipeline_mode<synchronous>, transform_indices = @transform_2, window_bounds = array<i64: 1, 128>}, {transform_indices = @transform_3, window_bounds = array<i64: 1024, 128>}]} {
    %get3A = arith.constant 0 : index
    %get3A_0 = arith.constant 0 : index
    %get3A_1 = vector.load %arg1[%get3A, %get3A_0] : memref<1024x256xf32, #tpu.memory_space<vmem>>, vector<1024x256xf32>
    %get3A_2 = arith.constant 0 : index
    %get3A_3 = arith.constant 0 : index
    %get3A_4 = vector.load %arg2[%get3A_2, %get3A_3] : memref<256x128xf32, #tpu.memory_space<vmem>>, vector<256x128xf32>
    %dot_general3A = arith.constant dense<0.000000e+00> : vector<1024x128xf32>
    %dot_general3A_5 = tpu.matmul %get3A_1, %get3A_4, %dot_general3A {dimension_numbers = #tpu.dot_dimension_numbers<[1], [0], [0], [1], [0, 0, 1, 1], [], []>, transpose_lhs_hint = false} : vector<1024x256xf32>, vector<256x128xf32>, vector<1024x128xf32> -> vector<1024x128xf32>
    %get3A_6 = arith.constant 0 : index
    %get3A_7 = arith.constant 0 : index
    %get3A_8 = vector.load %arg3[%get3A_6, %get3A_7] : memref<1x128xf32, #tpu.memory_space<vmem>>, vector<1x128xf32>
    %add3A = vector.broadcast %get3A_8 : vector<1x128xf32> to vector<1024x128xf32>
    %add3A_9 = arith.addf %dot_general3A_5, %add3A : vector<1024x128xf32>
    %max3A = arith.constant 0.000000e+00 : f32
    %max3A_10 = vector.broadcast %max3A : f32 to vector<1024x128xf32>
    %max3A_11 = arith.maximumf %add3A_9, %max3A_10 : vector<1024x128xf32>
    %swap3A = arith.constant 0 : index
    %swap3A_12 = arith.constant 0 : index
    %swap3A_13 = vector.load %arg4[%swap3A, %swap3A_12] : memref<1024x128xf32, #tpu.memory_space<vmem>>, vector<1024x128xf32>
    tpu.vector_store %arg4[%swap3A, %swap3A_12], %max3A_11 {strides = array<i32>} : memref<1024x128xf32, #tpu.memory_space<vmem>>, vector<1024x128xf32>,
    return
  }
  func.func @transform_0(%arg0: i32) -> (i32, i32) {
    %c0_i32 = arith.constant 0 : i32
    %c0_i32_0 = arith.constant 0 : i32
    return %arg0, %c0_i32 : i32, i32
  }
  func.func @transform_1(%arg0: i32) -> (i32, i32) {
    %c0_i32 = arith.constant 0 : i32
    %c0_i32_0 = arith.constant 0 : i32
    %c0_i32_1 = arith.constant 0 : i32
    return %c0_i32, %c0_i32_0 : i32, i32
  }
  func.func @transform_2(%arg0: i32) -> (i32, i32) {
    %c0_i32 = arith.constant 0 : i32
    %c0_i32_0 = arith.constant 0 : i32
    %c0_i32_1 = arith.constant 0 : i32
    return %c0_i32, %c0_i32_0 : i32, i32
  }
  func.func @transform_3(%arg0: i32) -> (i32, i32) {
    %c0_i32 = arith.constant 0 : i32
    %c0_i32_0 = arith.constant 0 : i32
    return %arg0, %c0_i32 : i32, i32
  }
}

module attributes {stable_mosaic.version = 14 : i64} {
  func.func @_table_body(%arg0: i32, %arg1: i32, %arg2: memref<1024x128xf32, #tpu.memory_space<vmem>>, %arg3: memref<1x128x128xf32, #tpu.memory_space<vmem>>, %arg4: memref<1x1024x128xf32, #tpu.memory_space<vmem>>) attributes {dimension_semantics = [#tpu.dimension_semantics<arbitrary>, #tpu.dimension_semantics<arbitrary>], iteration_bounds = array<i64: 10, 6>, scalar_prefetch = 0 : i64, scratch_operands = 0 : i64, tpu.core_type = #tpu.core_type<tc>, window_params = [{transform_indices = @transform_0, window_bounds = array<i64: 1024, 128>}, {transform_indices = @transform_1, window_bounds = array<i64: 1, 128, 128>}, {transform_indices = @transform_2, window_bounds = array<i64: 1, 1024, 128>}]} {
    %get3A = arith.constant 0 : index
    %get3A_0 = arith.constant 0 : index
    %get3A_1 = vector.load %arg2[%get3A, %get3A_0] : memref<1024x128xf32, #tpu.memory_space<vmem>>, vector<1024x128xf32>
    %get3A_2 = arith.constant 0 : index
    %get3A_3 = arith.constant 0 : index
    %get3A_4 = arith.constant 0 : index
    %get3A_5 = vector.load %arg3[%get3A_2, %get3A_3, %get3A_4] : memref<1x128x128xf32, #tpu.memory_space<vmem>>, vector<1x128x128xf32>
    %get3A_6 = vector.shape_cast %get3A_5 : vector<1x128x128xf32> to vector<128x128xf32>
    %dot_general3A = arith.constant dense<0.000000e+00> : vector<1024x128xf32>
    %dot_general3A_7 = tpu.matmul %get3A_1, %get3A_6, %dot_general3A {dimension_numbers = #tpu.dot_dimension_numbers<[1], [0], [0], [1], [0, 0, 1, 1], [], []>, transpose_lhs_hint = false} : vector<1024x128xf32>, vector<128x128xf32>, vector<1024x128xf32> -> vector<1024x128xf32>
    %broadcast_in_dim3A = vector.shape_cast %dot_general3A_7 : vector<1024x128xf32> to vector<1x1024x128xf32>
    %swap3A = arith.constant 0 : index
    %swap3A_8 = arith.constant 0 : index
    %swap3A_9 = arith.constant 0 : index
    %swap3A_10 = vector.load %arg4[%swap3A, %swap3A_8, %swap3A_9] : memref<1x1024x128xf32, #tpu.memory_space<vmem>>, vector<1x1024x128xf32>
    tpu.vector_store %arg4[%swap3A, %swap3A_8, %swap3A_9], %broadcast_in_dim3A {strides = array<i32>} : memref<1x1024x128xf32, #tpu.memory_space<vmem>>, vector<1x1024x128xf32>,
    return
  }
  func.func @transform_0(%arg0: i32, %arg1: i32) -> (i32, i32) {
    %c0_i32 = arith.constant 0 : i32
    %c0_i32_0 = arith.constant 0 : i32
    return %arg0, %c0_i32 : i32, i32
  }
  func.func @transform_1(%arg0: i32, %arg1: i32) -> (i32, i32, i32) {
    %c0_i32 = arith.constant 0 : i32
    %c0_i32_0 = arith.constant 0 : i32
    %c0_i32_1 = arith.constant 0 : i32
    return %arg1, %c0_i32, %c0_i32_0 : i32, i32, i32
  }
  func.func @transform_2(%arg0: i32, %arg1: i32) -> (i32, i32, i32) {
    %c0_i32 = arith.constant 0 : i32
    %c0_i32_0 = arith.constant 0 : i32
    return %arg1, %arg0, %c0_i32 : i32, i32, i32
  }
}

module attributes {stable_mosaic.version = 14 : i64} {
  func.func @_combine_body(%arg0: i32, %arg1: memref<2x1024x128xf32, #tpu.memory_space<vmem>>, %arg2: memref<1x128xf32, #tpu.memory_space<vmem>>, %arg3: memref<1024x128xf32, #tpu.memory_space<vmem>>) attributes {dimension_semantics = [#tpu.dimension_semantics<arbitrary>], iteration_bounds = array<i64: 10>, scalar_prefetch = 0 : i64, scratch_operands = 0 : i64, tpu.core_type = #tpu.core_type<tc>, window_params = [{transform_indices = @transform_0, window_bounds = array<i64: 2, 1024, 128>}, {pipeline_mode = #tpu.pipeline_mode<synchronous>, transform_indices = @transform_1, window_bounds = array<i64: 1, 128>}, {transform_indices = @transform_2, window_bounds = array<i64: 1024, 128>}]} {
    %get3A = arith.constant 0 : index
    %get3A_0 = arith.constant 0 : index
    %get3A_1 = arith.constant 0 : index
    %get3A_2 = vector.load %arg1[%get3A, %get3A_0, %get3A_1] : memref<2x1024x128xf32, #tpu.memory_space<vmem>>, vector<1x1024x128xf32>
    %get3A_3 = vector.shape_cast %get3A_2 : vector<1x1024x128xf32> to vector<1024x128xf32>
    %get3A_4 = arith.constant 1 : index
    %get3A_5 = arith.constant 0 : index
    %get3A_6 = arith.constant 0 : index
    %get3A_7 = vector.load %arg1[%get3A_4, %get3A_5, %get3A_6] : memref<2x1024x128xf32, #tpu.memory_space<vmem>>, vector<1x1024x128xf32>
    %get3A_8 = vector.shape_cast %get3A_7 : vector<1x1024x128xf32> to vector<1024x128xf32>
    %add3A = arith.addf %get3A_3, %get3A_8 : vector<1024x128xf32>
    %get3A_9 = arith.constant 0 : index
    %get3A_10 = arith.constant 0 : index
    %get3A_11 = vector.load %arg2[%get3A_9, %get3A_10] : memref<1x128xf32, #tpu.memory_space<vmem>>, vector<1x128xf32>
    %add3A_12 = vector.broadcast %get3A_11 : vector<1x128xf32> to vector<1024x128xf32>
    %add3A_13 = arith.addf %add3A, %add3A_12 : vector<1024x128xf32>
    %max3A = arith.constant 0.000000e+00 : f32
    %max3A_14 = vector.broadcast %max3A : f32 to vector<1024x128xf32>
    %max3A_15 = arith.maximumf %add3A_13, %max3A_14 : vector<1024x128xf32>
    %swap3A = arith.constant 0 : index
    %swap3A_16 = arith.constant 0 : index
    %swap3A_17 = vector.load %arg3[%swap3A, %swap3A_16] : memref<1024x128xf32, #tpu.memory_space<vmem>>, vector<1024x128xf32>
    tpu.vector_store %arg3[%swap3A, %swap3A_16], %max3A_15 {strides = array<i32>} : memref<1024x128xf32, #tpu.memory_space<vmem>>, vector<1024x128xf32>,
    return
  }
  func.func @transform_0(%arg0: i32) -> (i32, i32, i32) {
    %c0_i32 = arith.constant 0 : i32
    %c0_i32_0 = arith.constant 0 : i32
    %c0_i32_1 = arith.constant 0 : i32
    return %c0_i32, %arg0, %c0_i32_0 : i32, i32, i32
  }
  func.func @transform_1(%arg0: i32) -> (i32, i32) {
    %c0_i32 = arith.constant 0 : i32
    %c0_i32_0 = arith.constant 0 : i32
    %c0_i32_1 = arith.constant 0 : i32
    return %c0_i32, %c0_i32_0 : i32, i32
  }
  func.func @transform_2(%arg0: i32) -> (i32, i32) {
    %c0_i32 = arith.constant 0 : i32
    %c0_i32_0 = arith.constant 0 : i32
    return %arg0, %c0_i32 : i32, i32
  }
}

module attributes {stable_mosaic.version = 14 : i64} {
  func.func @_final_body(%arg0: i32, %arg1: memref<1024x128xf32, #tpu.memory_space<vmem>>, %arg2: memref<128x256xf32, #tpu.memory_space<vmem>>, %arg3: memref<1x256xf32, #tpu.memory_space<vmem>>, %arg4: memref<1024x256xf32, #tpu.memory_space<vmem>>, %arg5: memref<256x256xf32, #tpu.memory_space<vmem>>, %arg6: memref<1x256xf32, #tpu.memory_space<vmem>>, %arg7: memref<1024x256xf32, #tpu.memory_space<vmem>>) attributes {dimension_semantics = [#tpu.dimension_semantics<arbitrary>], iteration_bounds = array<i64: 10>, scalar_prefetch = 0 : i64, scratch_operands = 0 : i64, tpu.core_type = #tpu.core_type<tc>, window_params = [{transform_indices = @transform_0, window_bounds = array<i64: 1024, 128>}, {pipeline_mode = #tpu.pipeline_mode<synchronous>, transform_indices = @transform_1, window_bounds = array<i64: 128, 256>}, {pipeline_mode = #tpu.pipeline_mode<synchronous>, transform_indices = @transform_2, window_bounds = array<i64: 1, 256>}, {transform_indices = @transform_3, window_bounds = array<i64: 1024, 256>}, {pipeline_mode = #tpu.pipeline_mode<synchronous>, transform_indices = @transform_4, window_bounds = array<i64: 256, 256>}, {pipeline_mode = #tpu.pipeline_mode<synchronous>, transform_indices = @transform_5, window_bounds = array<i64: 1, 256>}, {transform_indices = @transform_6, window_bounds = array<i64: 1024, 256>}]} {
    %get3A = arith.constant 0 : index
    %get3A_0 = arith.constant 0 : index
    %get3A_1 = vector.load %arg1[%get3A, %get3A_0] : memref<1024x128xf32, #tpu.memory_space<vmem>>, vector<1024x128xf32>
    %get3A_2 = arith.constant 0 : index
    %get3A_3 = arith.constant 0 : index
    %get3A_4 = vector.load %arg2[%get3A_2, %get3A_3] : memref<128x256xf32, #tpu.memory_space<vmem>>, vector<128x256xf32>
    %dot_general3A = arith.constant dense<0.000000e+00> : vector<1024x256xf32>
    %dot_general3A_5 = tpu.matmul %get3A_1, %get3A_4, %dot_general3A {dimension_numbers = #tpu.dot_dimension_numbers<[1], [0], [0], [1], [0, 0, 1, 1], [], []>, transpose_lhs_hint = false} : vector<1024x128xf32>, vector<128x256xf32>, vector<1024x256xf32> -> vector<1024x256xf32>
    %get3A_6 = arith.constant 0 : index
    %get3A_7 = arith.constant 0 : index
    %get3A_8 = vector.load %arg3[%get3A_6, %get3A_7] : memref<1x256xf32, #tpu.memory_space<vmem>>, vector<1x256xf32>
    %add3A = vector.broadcast %get3A_8 : vector<1x256xf32> to vector<1024x256xf32>
    %add3A_9 = arith.addf %dot_general3A_5, %add3A : vector<1024x256xf32>
    %max3A = arith.constant 0.000000e+00 : f32
    %max3A_10 = vector.broadcast %max3A : f32 to vector<1024x256xf32>
    %max3A_11 = arith.maximumf %add3A_9, %max3A_10 : vector<1024x256xf32>
    %get3A_12 = arith.constant 0 : index
    %get3A_13 = arith.constant 0 : index
    %get3A_14 = vector.load %arg4[%get3A_12, %get3A_13] : memref<1024x256xf32, #tpu.memory_space<vmem>>, vector<1024x256xf32>
    %get3A_15 = arith.constant 0 : index
    %get3A_16 = arith.constant 0 : index
    %get3A_17 = vector.load %arg5[%get3A_15, %get3A_16] : memref<256x256xf32, #tpu.memory_space<vmem>>, vector<256x256xf32>
    %dot_general3A_18 = arith.constant dense<0.000000e+00> : vector<1024x256xf32>
    %dot_general3A_19 = tpu.matmul %get3A_14, %get3A_17, %dot_general3A_18 {dimension_numbers = #tpu.dot_dimension_numbers<[1], [0], [0], [1], [0, 0, 1, 1], [], []>, transpose_lhs_hint = false} : vector<1024x256xf32>, vector<256x256xf32>, vector<1024x256xf32> -> vector<1024x256xf32>
    %get3A_20 = arith.constant 0 : index
    %get3A_21 = arith.constant 0 : index
    %get3A_22 = vector.load %arg6[%get3A_20, %get3A_21] : memref<1x256xf32, #tpu.memory_space<vmem>>, vector<1x256xf32>
    %add3A_23 = vector.broadcast %get3A_22 : vector<1x256xf32> to vector<1024x256xf32>
    %add3A_24 = arith.addf %dot_general3A_19, %add3A_23 : vector<1024x256xf32>
    %max3A_25 = arith.constant 0.000000e+00 : f32
    %max3A_26 = vector.broadcast %max3A_25 : f32 to vector<1024x256xf32>
    %max3A_27 = arith.maximumf %add3A_24, %max3A_26 : vector<1024x256xf32>
    %add3A_28 = arith.addf %max3A_11, %max3A_27 : vector<1024x256xf32>
    %swap3A = arith.constant 0 : index
    %swap3A_29 = arith.constant 0 : index
    %swap3A_30 = vector.load %arg7[%swap3A, %swap3A_29] : memref<1024x256xf32, #tpu.memory_space<vmem>>, vector<1024x256xf32>
    tpu.vector_store %arg7[%swap3A, %swap3A_29], %add3A_28 {strides = array<i32>} : memref<1024x256xf32, #tpu.memory_space<vmem>>, vector<1024x256xf32>,
    return
  }
  func.func @transform_0(%arg0: i32) -> (i32, i32) {
    %c0_i32 = arith.constant 0 : i32
    %c0_i32_0 = arith.constant 0 : i32
    return %arg0, %c0_i32 : i32, i32
  }
  func.func @transform_1(%arg0: i32) -> (i32, i32) {
    %c0_i32 = arith.constant 0 : i32
    %c0_i32_0 = arith.constant 0 : i32
    %c0_i32_1 = arith.constant 0 : i32
    return %c0_i32, %c0_i32_0 : i32, i32
  }
  func.func @transform_2(%arg0: i32) -> (i32, i32) {
    %c0_i32 = arith.constant 0 : i32
    %c0_i32_0 = arith.constant 0 : i32
    %c0_i32_1 = arith.constant 0 : i32
    return %c0_i32, %c0_i32_0 : i32, i32
  }
  func.func @transform_3(%arg0: i32) -> (i32, i32) {
    %c0_i32 = arith.constant 0 : i32
    %c0_i32_0 = arith.constant 0 : i32
    return %arg0, %c0_i32 : i32, i32
  }
  func.func @transform_4(%arg0: i32) -> (i32, i32) {
    %c0_i32 = arith.constant 0 : i32
    %c0_i32_0 = arith.constant 0 : i32
    %c0_i32_1 = arith.constant 0 : i32
    return %c0_i32, %c0_i32_0 : i32, i32
  }
  func.func @transform_5(%arg0: i32) -> (i32, i32) {
    %c0_i32 = arith.constant 0 : i32
    %c0_i32_0 = arith.constant 0 : i32
    %c0_i32_1 = arith.constant 0 : i32
    return %c0_i32, %c0_i32_0 : i32, i32
  }
  func.func @transform_6(%arg0: i32) -> (i32, i32) {
    %c0_i32 = arith.constant 0 : i32
    %c0_i32_0 = arith.constant 0 : i32
    return %arg0, %c0_i32 : i32, i32
  }
}

</mosaic_0001>

<sc_bundles>
// kernel: kernel.13.cloned.1.call-start
scs
__scs_entry_jumppad:
0x0: {  	(pc) =	sbr.rel $0x88, $3  }
0x1: {  	(tag) =	ssettag $0x0;
	lr =	simm.s32 $0x1  }
0x2: {  	[smem:$0x3F92] =	sst lr;
	_ =	strace $0xD0000000  }
0x3: {  	_ = 	snop  }
0x4: {  	_ = 	snop  }
0x5: {  	_ = 	snop  }
0x6: {  	_ = 	snop  }
0x7: {  	_ = 	snop  }
__scs_overlays_trampoline_lowered:
0x8: {  	[smem:$0x3FA1] =	sst s0  }
0x9: {  	[smem:$0x3FA2] =	sst s1  }
0xa: {  	[smem:$0x3FA3] =	sst s2  }
0xb: {  	[smem:$0x3FA4] =	sst s3  }
0xc: {  	[smem:$0x3FA5] =	sst s4  }
0xd: {  	[smem:$0x3FA6] =	sst s5  }
0xe: {  	[smem:$0x3FA7] =	sst s6  }
0xf: {  	[smem:$0x3FA8] =	sst s7  }
0x10: {  	[smem:$0x3FA9] =	sst s8  }
0x11: {  	[smem:$0x3FAA] =	sst s9;
	s0 =	simm.s32 @!p0 $0x0  }
0x12: {  	s1 =	sld [smem:$0x3F90];
	s0 =	simm.s32 @p0 $0x1  }
0x13: {  	[smem:$0x3FAB] =	sst s0;
	s0 =	simm.s32 @!p1 $0x0  }
0x14: {  	s2 =	sld [smem:$0x3F8F];
	s0 =	simm.s32 @p1 $0x1  }
0x15: {  	[smem:$0x3FAC] =	sst s0;
	s0 =	simm.s32 @!p2 $0x0  }
0x16: {  	s3 =	sld [smem:$0x3FDB];
	s0 =	simm.s32 @p2 $0x1  }
0x17: {  	s4 =	simm.s32 $0x1BF5;
	[smem:$0x3FAE] =	sst s0  }
0x18: {  	s0 =	sld [smem:$0x3F91];
	_ =	swait.ge [sflag:s4], $0x0  }
0x19: {  	s7 =	sld [smem:$0x3F92]  }
0x1a: {  	s8 =	sadd.s32 $0xFFFFE003, lr  }
0x1b: {  	s9 =	sadd.s32 $0xFFFFFEF7, lr;
	s5 =	simm.s32 $0xFFFFFFFF;
	p2 =	slt.u32 s8, $0xFFFFF086  }
0x1c: {  	p1 =	slt.u32 s9, $0xF7A;
	s5 =	simm.s32 @!p2 $0x0  }
0x1d: {  	s5 =	simm.s32 @p1 $0x1;
	p0 =	seq.s32 s7, s2  }
0x1e: {  	s7 =	smul.u32 @!p0 $0xF7A, s2;
	p2 =	seq.s32 @!p0 s5, $0x0  }
0x1f: {  	s9 =	smul.u32 $0xF7A, s1;
	s8 =	simm.s32 @!p0 $0x1BF5;
	p2 =	por !p2, p0  }
0x20: {  	[sflag:s8] =	ssyncset.s32 @!p0 $0xFFFFF086;
	s6 =	sadd.s32 @!p0 s3, s7;
	s7 =	simm.s32 @!p0 $0x108  }
0x21: {  	s3 =	sadd.s32 s3, s9;
	s6 =	sadd.s32 @!p0 $0x88, s6;
	s7 =	simm.s32 @p2 $0x1082  }
0x22: {  	[simem:s7], [sflag:s8] =	dma.local @!p0 [hbm:s6], $0xF7A  }
0x23: {  	s9 =	sor.u32 $0xD0000000, s2;
	s6 =	simm.s32 $0x108;
	_ =	swait.ge @!p0 [sflag:s8], $0x0  }
0x24: {  	s3 =	sadd.s32 $0x88, s3;
	s6 =	simm.s32 @!p1 $0x1082;
	[sflag:s4] =	ssyncset.s32 $0xFFFFF086  }
0x25: {  	[simem:s6], [sflag:s4] =	dma.local [hbm:s3], $0xF7A  }
0x26: {  	[smem:$0x3F92] =	sst s1;
	(tag) =	ssettag s2;
	_ =	strace s9  }
0x27: {  	s1 =	sld [smem:$0x3FA2]  }
0x28: {  	s2 =	sld [smem:$0x3FA3]  }
0x29: {  	s4 =	sld [smem:$0x3FA5]  }
0x2a: {  	p0 =	seq.s32 s5, $0x0;
	s5 =	sld [smem:$0x3FA6]  }
0x2b: {  	s6 =	sld [smem:$0x3FA7]  }
0x2c: {  	s7 =	sld [smem:$0x3FA8]  }
0x2d: {  	s3 =	simm.s32 $0x108;
	s8 =	sld [smem:$0x3FA9]  }
0x2e: {  	s3 =	simm.s32 @!p0 $0x1082;
	s9 =	sld [smem:$0x3FAA]  }
0x2f: {  	lr =	sadd.s32 s0, s3;
	s0 =	sld [smem:$0x3FA1]  }
0x30: {  	s3 =	sld [smem:$0x3FA4]  }
0x31: {  	[smem:$0x3FAD] =	sst s10  }
0x32: {  	s10 =	sld [smem:$0x3FAB];
	_ =	sdelay $0x3  }
0x33: {  	p0 =	seq.s32 s10, $0x1;
	s10 =	sld [smem:$0x3FAD];
	_ =	sdelay $0x3  }
0x34: {  	[smem:$0x3FAD] =	sst s10  }
0x35: {  	s10 =	sld [smem:$0x3FAC];
	_ =	sdelay $0x3  }
0x36: {  	p1 =	seq.s32 s10, $0x1;
	s10 =	sld [smem:$0x3FAD];
	_ =	sdelay $0x3  }
0x37: {  	[smem:$0x3FAD] =	sst s10  }
0x38: {  	s10 =	sld [smem:$0x3FAE]  }
0x39: {  	_ = 	snop;
	(pc) =	sbr.ind lr, $3  }
0x3a: {  	_ = 	snop  }
0x3b: {  	_ = 	snop  }
0x3c: {  	p2 =	seq.s32 s10, $0x1;
	s10 =	sld [smem:$0x3FAD]  }
0x3d: {  	_ =	shalt  }
0x3e: {  	_ =	shalt  }
0x3f: {  	_ =	shalt  }
0x40: {  	_ =	shalt  }
0x41: {  	_ =	shalt  }
0x42: {  	_ =	shalt  }
0x43: {  	_ =	shalt  }
0x44: {  	_ =	shalt  }
0x45: {  	_ =	shalt  }
0x46: {  	_ =	shalt  }
0x47: {  	_ =	shalt  }
0x48: {  	_ =	shalt  }
0x49: {  	_ =	shalt  }
0x4a: {  	_ =	shalt  }
0x4b: {  	_ =	shalt  }
0x4c: {  	_ =	shalt  }
0x4d: {  	_ =	shalt  }
0x4e: {  	_ =	shalt  }
0x4f: {  	_ =	shalt  }
0x50: {  	_ =	shalt  }
0x51: {  	_ =	shalt  }
0x52: {  	_ =	shalt  }
0x53: {  	_ =	shalt  }
0x54: {  	_ =	shalt  }
0x55: {  	_ =	shalt  }
0x56: {  	_ =	shalt  }
0x57: {  	_ =	shalt  }
0x58: {  	_ =	shalt  }
0x59: {  	_ =	shalt  }
0x5a: {  	_ =	shalt  }
0x5b: {  	_ =	shalt  }
0x5c: {  	_ =	shalt  }
0x5d: {  	_ =	shalt  }
0x5e: {  	_ =	shalt  }
0x5f: {  	_ =	shalt  }
0x60: {  	_ =	shalt  }
0x61: {  	_ =	shalt  }
0x62: {  	_ =	shalt  }
0x63: {  	_ =	shalt  }
0x64: {  	_ =	shalt  }
0x65: {  	_ =	shalt  }
0x66: {  	_ =	shalt  }
0x67: {  	_ =	shalt  }
0x68: {  	_ =	shalt  }
0x69: {  	_ =	shalt  }
0x6a: {  	_ =	shalt  }
0x6b: {  	_ =	shalt  }
0x6c: {  	_ =	shalt  }
0x6d: {  	_ =	shalt  }
0x6e: {  	_ =	shalt  }
0x6f: {  	_ =	shalt  }
0x70: {  	_ =	shalt  }
0x71: {  	_ =	shalt  }
0x72: {  	_ =	shalt  }
0x73: {  	_ =	shalt  }
0x74: {  	_ =	shalt  }
0x75: {  	_ =	shalt  }
0x76: {  	_ =	shalt  }
0x77: {  	_ =	shalt  }
0x78: {  	_ =	shalt  }
0x79: {  	_ =	shalt  }
0x7a: {  	_ =	shalt  }
0x7b: {  	_ =	shalt  }
0x7c: {  	_ =	shalt  }
0x7d: {  	_ =	shalt  }
0x7e: {  	_ =	shalt  }
0x7f: {  	_ =	shalt  }
0x80: {  	_ =	shalt  }
0x81: {  	_ =	shalt  }
0x82: {  	_ =	shalt  }
0x83: {  	_ =	shalt  }
0x84: {  	_ =	shalt  }
0x85: {  	_ =	shalt  }
0x86: {  	_ =	shalt  }
0x87: {  	_ =	shalt  }
.Lfunc_end0:
.L_simem_size_0:
called_computation_lowered:
.L_overlay_start_0:
0x88: {  	s2 =	sld [smem:$0x3FD9]  }
0x89: {  	s3 =	sld [smem:$0x3FFE];
	_ =	sdelay $0x1  }
0x8a: {  	s1 =	srdreg.scid  }
0x8b: {  	s0 =	sand.u32 $0x1, s1  }
0x8c: {  	s17 =	sshll.u32 s0, $0xA;
	s2 =	sadd.s32 s3, s2  }
0x8d: {  	s2 =	sadd.s32 s2, s17  }
0x8e: {  	[smem:$0x3FB9] =	sst s2  }
0x8f: {  	_ = 	snop  }
0x90: {  	s2 =	sld [smem:$0x3FD0];
	(tm) =	ssettm $0x1  }
0x91: {  	s18 =	sld [smem:$0x3FFB];
	_ =	sdelay $0x3  }
0x92: {  	_ =	strace s18  }
0x93: {  	s3 =	sld [smem:$0x3FFC];
	_ =	sdelay $0x3  }
0x94: {  	_ =	strace s3  }
0x95: {  	s3 =	sld [smem:$0x3FFD];
	_ =	sdelay $0x3  }
0x96: {  	_ =	strace s3  }
0x97: {  	_ =	strace $0x8FFFFFFF  }
0x98: {  	s19 =	sld [smem:$0x3FDB];
	_ =	sdelay $0x1  }
0x99: {  	s4 =	simm.s32 $_scs_section_size  }
0x9a: {  	s5 =	simm.s32 $_size__tile_overlayer_lowered;
	s6 =	simm.s32 $_tile_overlayer_lowered  }
0x9b: {  	s22 =	simm.s32 $0x1BFF;
	s21 =	sshll.u32 s6, $0x1;
	s3 =	sadd.s32 s4, s19  }
0x9c: {  	s7 =	simm.s32 $0x0;
	s20 =	sshll.u32 s5, $0x1;
	s5 =	sadd.s32 s21, s3  }
0x9d: {  	[timem:s7], [sflag:s22] =	dma.local [hbm:s5], s20  }
0x9e: {  	_ =	swait.ge [sflag:s22], s20  }
0x9f: {  	s4 =	ssub.s32 $0x0, s20;
	[sflag:s22] =	ssyncset.done $0x0  }
0xa0: {  	[sflag:s22] =	ssyncadd.s32 s4;
	_ =	sdelay $0x1  }
0xa1: {  	s23 =	simm.s32 $0x1B8B  }
0xa2: {  	_ =	swait.ge [sflag:s23], $0x1  }
0xa3: {  	[sflag:s23] =	ssyncset.done $0x0  }
0xa4: {  	s25 =	simm.s32 $0x1B8E;
	s24 =	sld [smem:$0x3FFE];
	[sflag:s23] =	ssyncadd.s32 $0xFFFFFFFF  }
0xa5: {  	s26 =	simm.s32 $execute0_lowered;
	[smem:$0x3FD2] =	sst s25  }
0xa6: {  	s5 =	sshll.u32 s26, $0x1;
	_ =	strace $0x80000046;
	[dreg:$0x1] =	wrdreg $0xFFFFFFFF  }
0xa7: {  	s28 =	simm.s32 $_size_execute0_lowered;
	s3 =	sadd.s32 s3, s5;
	[dreg:$0x0] =	wrdreg $0x0  }
0xa8: {  	s5 =	sshll.u32 s28, $0x1;
	[dreg:$0x2] =	wrdreg s3  }
0xa9: {  	[dreg:$0x3] =	wrdreg s5  }
0xaa: {  	[dreg:$0x4] =	wrdreg $0xC0  }
0xab: {  	_ =	task [dreg:s7], $0x5FFFF  }
0xac: {  	[dreg:$0x1] =	wrdreg $0xFFFFFFFF  }
0xad: {  	[dreg:$0x0] =	wrdreg $0x60  }
0xae: {  	[dreg:$0x2] =	wrdreg s24  }
0xaf: {  	[dreg:$0x3] =	wrdreg s2  }
0xb0: {  	[dreg:$0x4] =	wrdreg $0x41000  }
0xb1: {  	[dreg:$0x5] =	wrdreg $0x9  }
0xb2: {  	_ =	task.clear_ibuf [dreg:s7], $0x6FFFF;
	_ =	strace $0x90000046  }
0xb3: {  	s29 =	simm.s32 $0x9;
	_ =	strace $0x80000048  }
0xb4: {  	_ =	swait.ge [sflag:s29], $0x1  }
0xb5: {  	[sflag:s29] =	ssyncadd.s32 $0xFFFFFFFF  }
0xb6: {  	_ =	strace $0x90000048  }
0xb7: {  	_ =	sfence  }
0xb8: {  	s30 =	sld [smem:$0x0];
	_ =	sdelay $0x2  }
0xb9: {  	s31 =	sshll.u32 s1, $0xD;
	s1 =	sshrl.u32 s1, $0x2  }
0xba: {  	s3 =	sand.u32 $0x4000, s31;
	s1 =	sadd.s32 s1, s30  }
0xbb: {  	s0 =	sor.u32 s3, s0;
	s1 =	sshll.u32 s1, $0x11  }
0xbc: {  	s0 =	sor.u32 s1, s0  }
0xbd: {  	s0 =	sadd.s32 $0x8F2B, s0  }
0xbe: {  	[sflag:s0] =	ssyncadd.remote.s32 $0x1  }
0xbf: {  	_ =	sfence.sel $0xFFFF  }
0xc0: {  	[dreg:$0x0] =	wrdreg $0xFFFFFFFF;
	(pc) =	sbr.abs _section_cstart, $3  }
0xc1: {  	[dreg:$0x1] =	wrdreg $0xFFFFFFFF  }
0xc2: {  	_ =	task.clear_ibuf [dreg:s7], $0x2FFFF;
	_ =	strace $0x9FFFFFFF  }
0xc3: {  	(tm) =	ssettm $0x7FFFFFFF  }
tec
execute0_lowered:
.L_overlay_start_1:
0x0: {  	(tag) =	ssettag $0x1  }
0x1: {  	s5 =	rddreg [dreg:$0x0]  }
0x2: {  	s6 =	rddreg [dreg:$0x1]  }
0x3: {  	s2 =	rddreg [dreg:$0x2]  }
0x4: {  	s0 =	rddreg [dreg:$0x3];
	s4 =	srdreg.scid  }
0x5: {  	s1 =	stileid.u32;
	s3 =	simm.s32 $0x0;
	s14 =	simm.s32 $0x80  }
0x6: {  	s15 =	simm.s32 $0x100;
	s16 =	simm.s32 $0x1;
	s17 =	simm.s32 $0x0  }
0x7: {  	s7 =	sand.u32 $0x1, s4;
	s8 =	smul.u32 $0x14000, s1;
	[smem:$0x7FF] =	sst s3  }
0x8: {  	s10 =	sshll.u32 s1, $0x8;
	s4 =	sadd.s32 $0x66200, s5;
	s26 =	smul.u32 $0x50000, s1  }
0x9: {  	s31 =	sshll.u32 s1, $0x6;
	p0 =	slt.u32 s1, $0x2;
	s9 =	smul.u32 $0x140000, s7  }
0xa: {  	_ =	strace $0x80000047;
	s11 =	sshll.u32 s7, $0x7;
	s28 =	ssub.s32 $0x2, s7  }
0xb: {  	s10 =	sor.u32 s11, s10;
	s7 =	sshrl.u32 s28, $0x1;
	s29 =	sshrl.u32 s26, $0x2  }
0xc: {  	s9 =	sadd.s32 s8, s9;
	s10 =	sshrl.u32 s10, $0x3;
	s8 =	sshrl.u32 s8, $0x3  }
0xd: {  	s30 =	ssub.s32 s28, s7;
	s13 =	sadd.s32 s29, s2;
	s9 =	sshrl.u32 s9, $0x3  }
0xe: {  	s7 =	sor.u32 $0x1C02, s31;
	s12 =	sadd.s32 s10, s5;
	s9 =	sadd.s32 s9, s5  }
0xf: {  	s5 =	sadd.s32 s6, s8;
	s6 =	simm.s32 $0x4F;
	s10 =	sadd.s32 $0x2600, s12  }
0x10: {  	s11 =	sadd.s32 $0xC400, s12;
	s12 =	sshrl.u32 s13, $0x3;
	s13 =	simm.s32 $0x2  }
0x11: {  	s6 =	simm.s32 @!p0 $0x4E;
	s8 =	sadd.s32 $0x156200, s9;
	s9 =	smax.u32 s30, $0x1  }
.LBB2_1:
0x12: {  	[spmem:s12], [sflag:s7] =	dma.local [hbm:s5], $0x2800  }
0x13: {  	_ =	swait.ge [sflag:s13], $0x2800  }
0x14: {  	[sflag:s13] =	ssyncset.done $0x0  }
0x15: {  	[sflag:s13] =	ssyncadd.s32 $0xFFFFD800  }
0x16: {  	[bflag:$0x0] =	sbarrier.arrive $0xFFFF  }
0x17: {  	[tilespmem:s3], [sflag:$0x2] =	stream.linear.gather [hbm4b:s11+s3], $0x80, $0x38;
	[tilespmem:$0x18100] =	vst v63  }
0x18: {  	_ =	swait.ge [sflag:s13], $0x80  }
0x19: {  	[sflag:s13] =	ssyncset.done $0x0  }
0x1a: {  	[sflag:s13] =	ssyncadd.s32 $0xFFFFFF80  }
0x1b: {  	[tilespmem:s14], [sflag:$0x2] =	stream.linear.gather [hbm4b:s10+s3], $0x80, $0x38;
	[tilespmem:$0x18100] =	vst v63  }
0x1c: {  	_ =	swait.ge [sflag:s13], $0x80  }
0x1d: {  	[sflag:s13] =	ssyncset.done $0x0  }
0x1e: {  	[sflag:s13] =	ssyncadd.s32 $0xFFFFFF80  }
0x1f: {  	[tilespmem:s15], [sflag:$0x1] =	stream.indirect.gather [hbm4b:s4+s14], $0x80, s3, s14, $0xb8;
	[tilespmem:$0x18100] =	vst v63  }
0x20: {  	p0 =	sne.s32 s6, $0x1;
	_ =	swait.ge [sflag:s16], $0x4000  }
.Ltmp0:
0x21: {  	[sflag:s16] =	ssyncset.done $0x0;
	(pc) =	sbr.rel @!p0 .LBB2_3-.Ltmp0, $4  }
0x22: {  	[sflag:s16] =	ssyncadd.s32 $0xFFFFC000  }
0x23: {  	[spmem:s2] =	stream.indirect.scatter.add.f32 [tilespmem:s15], [sflag:$0x2], $0x80, s14, s14, $0xb8;
	[tilespmem:$0x18100] =	vst v63  }
0x24: {  	s18 =	sadd.s32 $0xFFFFFFFF, s6;
	_ =	swait.ge [sflag:s13], $0x4000  }
0x25: {  	s19 =	smov.u32 s10;
	s20 =	smov.u32 s11;
	[sflag:s13] =	ssyncset.done $0x0  }
.LBB2_2:
0x26: {  	[sflag:s13] =	ssyncadd.s32 $0xFFFFC000;
	s19 =	sadd.s32 $0x200, s19;
	s20 =	sadd.s32 $0x200, s20  }
0x27: {  	[tilespmem:s3], [sflag:$0x2] =	stream.linear.gather [hbm4b:s20+s3], $0x80, $0x38;
	[tilespmem:$0x18100] =	vst v63  }
0x28: {  	p0 =	sne.s32 s18, $0x1;
	s18 =	sadd.s32 $0xFFFFFFFF, s18;
	_ =	swait.ge [sflag:s13], $0x80  }
0x29: {  	[sflag:s13] =	ssyncset.done $0x0  }
0x2a: {  	[sflag:s13] =	ssyncadd.s32 $0xFFFFFF80  }
0x2b: {  	[tilespmem:s14], [sflag:$0x2] =	stream.linear.gather [hbm4b:s19+s3], $0x80, $0x38;
	[tilespmem:$0x18100] =	vst v63  }
0x2c: {  	_ =	swait.ge [sflag:s13], $0x80  }
0x2d: {  	[sflag:s13] =	ssyncset.done $0x0  }
0x2e: {  	[sflag:s13] =	ssyncadd.s32 $0xFFFFFF80  }
0x2f: {  	[tilespmem:s15], [sflag:$0x1] =	stream.indirect.gather [hbm4b:s4+s14], $0x80, s3, s14, $0xb8;
	[tilespmem:$0x18100] =	vst v63  }
0x30: {  	_ =	swait.ge [sflag:s16], $0x4000  }
.Ltmp1:
0x31: {  	[sflag:s16] =	ssyncset.done $0x0;
	(pc) =	sbr.rel @p0 .LBB2_2-.Ltmp1, $4  }
0x32: {  	[sflag:s16] =	ssyncadd.s32 $0xFFFFC000  }
0x33: {  	[spmem:s2] =	stream.indirect.scatter.add.f32 [tilespmem:s15], [sflag:$0x2], $0x80, s14, s14, $0xb8;
	[tilespmem:$0x18100] =	vst v63  }
0x34: {  	_ =	swait.ge [sflag:s13], $0x4000  }
0x35: {  	[sflag:s13] =	ssyncset.done $0x0  }
.LBB2_3:
0x36: {  	s17 =	sadd.s32 $0x1, s17  }
0x37: {  	[sflag:s13] =	ssyncadd.s32 $0xFFFFC000;
	p0 =	sne.s32 s17, s9  }
.Ltmp2:
0x38: {  	[bflag:$0x0] =	sbarrier.arrive $0xFFFF;
	(pc) =	sbr.rel @p0 .LBB2_1-.Ltmp2, $4  }
0x39: {  	[hbm:s8], [sflag:s7] =	dma.local [spmem:s12], $0x2800  }
0x3a: {  	_ =	swait.ge [sflag:s13], $0x2800  }
0x3b: {  	[sflag:s13] =	ssyncset.done $0x0  }
0x3c: {  	[sflag:s13] =	ssyncadd.s32 $0xFFFFD800  }
0x3d: {  	_ =	sfence.sel $0x180000  }
0x3e: {  	[bflag:$0x0] =	sbarrier.arrive $0xFFFF  }
0x3f: {  	p0 =	sne.s32 s1, $0x0;
	_ =	strace $0x90000047  }
0x40: {  	s0 =	sadd.s32 @!p0 $0x100000, s0;
	[bflag:$0x2] =	sbarrier.arrive $0xFFFF  }
0x41: {  	[sflag:s0] =	ssyncadd.tile.s32 @!p0 $0x1;
	_ =	shalt  }
.Lfunc_end2:
_tile_overlayer_lowered:
.L_overlay_start_2:
0x42: {  	(tag) =	ssettag $0x2  }
0x43: {  	s0 =	rddreg [dreg:$0x0];
	s2 =	stileid.u32  }
0x44: {  	s1 =	rddreg [dreg:$0x1];
	p0 =	sne.s32 s2, $0x0  }
0x45: {  	s3 =	rddreg [dreg:$0x2];
	[bflag:$0x3] =	sbarrier.arrive $0xFFFF;
	s2 =	simm.s32 @!p0 $0x1C02  }
0x46: {  	[timem:s3], [sflag:s2] =	dma.local @!p0 [hbm:s0], s1  }
0x47: {  	s0 =	simm.s32 @!p0 $0x2  }
0x48: {  	_ =	swait.ge @!p0 [sflag:s0], s1  }
0x49: {  	s1 =	ssub.s32 @!p0 $0x0, s1;
	[sflag:s0] =	ssyncset.done @!p0 $0x0  }
0x4a: {  	[sflag:s0] =	ssyncadd.s32 @!p0 s1  }
0x4b: {  	[bflag:$0x3] =	sbarrier.arrive $0xFFFF  }
0x4c: {  	_ =	shalt  }

// kernel: kernel.16.cloned.1.call-start
scs
__scs_entry_jumppad:
0x0: {  	(pc) =	sbr.rel $0x88, $3  }
0x1: {  	(tag) =	ssettag $0x0;
	lr =	simm.s32 $0x1  }
0x2: {  	[smem:$0x3F92] =	sst lr;
	_ =	strace $0xD0000000  }
0x3: {  	_ = 	snop  }
0x4: {  	_ = 	snop  }
0x5: {  	_ = 	snop  }
0x6: {  	_ = 	snop  }
0x7: {  	_ = 	snop  }
__scs_overlays_trampoline_lowered:
0x8: {  	[smem:$0x3FA1] =	sst s0  }
0x9: {  	[smem:$0x3FA2] =	sst s1  }
0xa: {  	[smem:$0x3FA3] =	sst s2  }
0xb: {  	[smem:$0x3FA4] =	sst s3  }
0xc: {  	[smem:$0x3FA5] =	sst s4  }
0xd: {  	[smem:$0x3FA6] =	sst s5  }
0xe: {  	[smem:$0x3FA7] =	sst s6  }
0xf: {  	[smem:$0x3FA8] =	sst s7  }
0x10: {  	[smem:$0x3FA9] =	sst s8  }
0x11: {  	[smem:$0x3FAA] =	sst s9;
	s0 =	simm.s32 @!p0 $0x0  }
0x12: {  	s1 =	sld [smem:$0x3F90];
	s0 =	simm.s32 @p0 $0x1  }
0x13: {  	[smem:$0x3FAB] =	sst s0;
	s0 =	simm.s32 @!p1 $0x0  }
0x14: {  	s2 =	sld [smem:$0x3F8F];
	s0 =	simm.s32 @p1 $0x1  }
0x15: {  	[smem:$0x3FAC] =	sst s0;
	s0 =	simm.s32 @!p2 $0x0  }
0x16: {  	s3 =	sld [smem:$0x3FDB];
	s0 =	simm.s32 @p2 $0x1  }
0x17: {  	s4 =	simm.s32 $0x1BF5;
	[smem:$0x3FAE] =	sst s0  }
0x18: {  	s0 =	sld [smem:$0x3F91];
	_ =	swait.ge [sflag:s4], $0x0  }
0x19: {  	s7 =	sld [smem:$0x3F92]  }
0x1a: {  	s8 =	sadd.s32 $0xFFFFE003, lr  }
0x1b: {  	s9 =	sadd.s32 $0xFFFFFEF7, lr;
	s5 =	simm.s32 $0xFFFFFFFF;
	p2 =	slt.u32 s8, $0xFFFFF086  }
0x1c: {  	p1 =	slt.u32 s9, $0xF7A;
	s5 =	simm.s32 @!p2 $0x0  }
0x1d: {  	s5 =	simm.s32 @p1 $0x1;
	p0 =	seq.s32 s7, s2  }
0x1e: {  	s7 =	smul.u32 @!p0 $0xF7A, s2;
	p2 =	seq.s32 @!p0 s5, $0x0  }
0x1f: {  	s9 =	smul.u32 $0xF7A, s1;
	s8 =	simm.s32 @!p0 $0x1BF5;
	p2 =	por !p2, p0  }
0x20: {  	[sflag:s8] =	ssyncset.s32 @!p0 $0xFFFFF086;
	s6 =	sadd.s32 @!p0 s3, s7;
	s7 =	simm.s32 @!p0 $0x108  }
0x21: {  	s3 =	sadd.s32 s3, s9;
	s6 =	sadd.s32 @!p0 $0x88, s6;
	s7 =	simm.s32 @p2 $0x1082  }
0x22: {  	[simem:s7], [sflag:s8] =	dma.local @!p0 [hbm:s6], $0xF7A  }
0x23: {  	s9 =	sor.u32 $0xD0000000, s2;
	s6 =	simm.s32 $0x108;
	_ =	swait.ge @!p0 [sflag:s8], $0x0  }
0x24: {  	s3 =	sadd.s32 $0x88, s3;
	s6 =	simm.s32 @!p1 $0x1082;
	[sflag:s4] =	ssyncset.s32 $0xFFFFF086  }
0x25: {  	[simem:s6], [sflag:s4] =	dma.local [hbm:s3], $0xF7A  }
0x26: {  	[smem:$0x3F92] =	sst s1;
	(tag) =	ssettag s2;
	_ =	strace s9  }
0x27: {  	s1 =	sld [smem:$0x3FA2]  }
0x28: {  	s2 =	sld [smem:$0x3FA3]  }
0x29: {  	s4 =	sld [smem:$0x3FA5]  }
0x2a: {  	p0 =	seq.s32 s5, $0x0;
	s5 =	sld [smem:$0x3FA6]  }
0x2b: {  	s6 =	sld [smem:$0x3FA7]  }
0x2c: {  	s7 =	sld [smem:$0x3FA8]  }
0x2d: {  	s3 =	simm.s32 $0x108;
	s8 =	sld [smem:$0x3FA9]  }
0x2e: {  	s3 =	simm.s32 @!p0 $0x1082;
	s9 =	sld [smem:$0x3FAA]  }
0x2f: {  	lr =	sadd.s32 s0, s3;
	s0 =	sld [smem:$0x3FA1]  }
0x30: {  	s3 =	sld [smem:$0x3FA4]  }
0x31: {  	[smem:$0x3FAD] =	sst s10  }
0x32: {  	s10 =	sld [smem:$0x3FAB];
	_ =	sdelay $0x3  }
0x33: {  	p0 =	seq.s32 s10, $0x1;
	s10 =	sld [smem:$0x3FAD];
	_ =	sdelay $0x3  }
0x34: {  	[smem:$0x3FAD] =	sst s10  }
0x35: {  	s10 =	sld [smem:$0x3FAC];
	_ =	sdelay $0x3  }
0x36: {  	p1 =	seq.s32 s10, $0x1;
	s10 =	sld [smem:$0x3FAD];
	_ =	sdelay $0x3  }
0x37: {  	[smem:$0x3FAD] =	sst s10  }
0x38: {  	s10 =	sld [smem:$0x3FAE]  }
0x39: {  	_ = 	snop;
	(pc) =	sbr.ind lr, $3  }
0x3a: {  	_ = 	snop  }
0x3b: {  	_ = 	snop  }
0x3c: {  	p2 =	seq.s32 s10, $0x1;
	s10 =	sld [smem:$0x3FAD]  }
0x3d: {  	_ =	shalt  }
0x3e: {  	_ =	shalt  }
0x3f: {  	_ =	shalt  }
0x40: {  	_ =	shalt  }
0x41: {  	_ =	shalt  }
0x42: {  	_ =	shalt  }
0x43: {  	_ =	shalt  }
0x44: {  	_ =	shalt  }
0x45: {  	_ =	shalt  }
0x46: {  	_ =	shalt  }
0x47: {  	_ =	shalt  }
0x48: {  	_ =	shalt  }
0x49: {  	_ =	shalt  }
0x4a: {  	_ =	shalt  }
0x4b: {  	_ =	shalt  }
0x4c: {  	_ =	shalt  }
0x4d: {  	_ =	shalt  }
0x4e: {  	_ =	shalt  }
0x4f: {  	_ =	shalt  }
0x50: {  	_ =	shalt  }
0x51: {  	_ =	shalt  }
0x52: {  	_ =	shalt  }
0x53: {  	_ =	shalt  }
0x54: {  	_ =	shalt  }
0x55: {  	_ =	shalt  }
0x56: {  	_ =	shalt  }
0x57: {  	_ =	shalt  }
0x58: {  	_ =	shalt  }
0x59: {  	_ =	shalt  }
0x5a: {  	_ =	shalt  }
0x5b: {  	_ =	shalt  }
0x5c: {  	_ =	shalt  }
0x5d: {  	_ =	shalt  }
0x5e: {  	_ =	shalt  }
0x5f: {  	_ =	shalt  }
0x60: {  	_ =	shalt  }
0x61: {  	_ =	shalt  }
0x62: {  	_ =	shalt  }
0x63: {  	_ =	shalt  }
0x64: {  	_ =	shalt  }
0x65: {  	_ =	shalt  }
0x66: {  	_ =	shalt  }
0x67: {  	_ =	shalt  }
0x68: {  	_ =	shalt  }
0x69: {  	_ =	shalt  }
0x6a: {  	_ =	shalt  }
0x6b: {  	_ =	shalt  }
0x6c: {  	_ =	shalt  }
0x6d: {  	_ =	shalt  }
0x6e: {  	_ =	shalt  }
0x6f: {  	_ =	shalt  }
0x70: {  	_ =	shalt  }
0x71: {  	_ =	shalt  }
0x72: {  	_ =	shalt  }
0x73: {  	_ =	shalt  }
0x74: {  	_ =	shalt  }
0x75: {  	_ =	shalt  }
0x76: {  	_ =	shalt  }
0x77: {  	_ =	shalt  }
0x78: {  	_ =	shalt  }
0x79: {  	_ =	shalt  }
0x7a: {  	_ =	shalt  }
0x7b: {  	_ =	shalt  }
0x7c: {  	_ =	shalt  }
0x7d: {  	_ =	shalt  }
0x7e: {  	_ =	shalt  }
0x7f: {  	_ =	shalt  }
0x80: {  	_ =	shalt  }
0x81: {  	_ =	shalt  }
0x82: {  	_ =	shalt  }
0x83: {  	_ =	shalt  }
0x84: {  	_ =	shalt  }
0x85: {  	_ =	shalt  }
0x86: {  	_ =	shalt  }
0x87: {  	_ =	shalt  }
.Lfunc_end0:
.L_simem_size_0:
called_computation.1_lowered:
.L_overlay_start_0:
0x88: {  	s2 =	sld [smem:$0x3FD9]  }
0x89: {  	s3 =	sld [smem:$0x3FFE];
	_ =	sdelay $0x1  }
0x8a: {  	s1 =	srdreg.scid  }
0x8b: {  	s0 =	sand.u32 $0x1, s1  }
0x8c: {  	s17 =	sshll.u32 s0, $0xA;
	s2 =	sadd.s32 s3, s2  }
0x8d: {  	s2 =	sadd.s32 s2, s17  }
0x8e: {  	[smem:$0x3FB9] =	sst s2  }
0x8f: {  	_ = 	snop  }
0x90: {  	s2 =	sld [smem:$0x3FD0];
	(tm) =	ssettm $0x1  }
0x91: {  	s18 =	sld [smem:$0x3FFB];
	_ =	sdelay $0x3  }
0x92: {  	_ =	strace s18  }
0x93: {  	s3 =	sld [smem:$0x3FFC];
	_ =	sdelay $0x3  }
0x94: {  	_ =	strace s3  }
0x95: {  	s3 =	sld [smem:$0x3FFD];
	_ =	sdelay $0x3  }
0x96: {  	_ =	strace s3  }
0x97: {  	_ =	strace $0x8FFFFFFF  }
0x98: {  	s19 =	sld [smem:$0x3FDB];
	_ =	sdelay $0x1  }
0x99: {  	s4 =	simm.s32 $_scs_section_size  }
0x9a: {  	s5 =	simm.s32 $_size__tile_overlayer_lowered;
	s6 =	simm.s32 $_tile_overlayer_lowered  }
0x9b: {  	s22 =	simm.s32 $0x1BFF;
	s21 =	sshll.u32 s6, $0x1;
	s3 =	sadd.s32 s4, s19  }
0x9c: {  	s7 =	simm.s32 $0x0;
	s20 =	sshll.u32 s5, $0x1;
	s5 =	sadd.s32 s21, s3  }
0x9d: {  	[timem:s7], [sflag:s22] =	dma.local [hbm:s5], s20  }
0x9e: {  	_ =	swait.ge [sflag:s22], s20  }
0x9f: {  	s4 =	ssub.s32 $0x0, s20;
	[sflag:s22] =	ssyncset.done $0x0  }
0xa0: {  	[sflag:s22] =	ssyncadd.s32 s4;
	_ =	sdelay $0x1  }
0xa1: {  	s23 =	simm.s32 $0x1B8B  }
0xa2: {  	_ =	swait.ge [sflag:s23], $0x1  }
0xa3: {  	[sflag:s23] =	ssyncset.done $0x0  }
0xa4: {  	s25 =	simm.s32 $0x1B8E;
	s24 =	sld [smem:$0x3FFE];
	[sflag:s23] =	ssyncadd.s32 $0xFFFFFFFF  }
0xa5: {  	s26 =	simm.s32 $execute0_lowered;
	[smem:$0x3FD2] =	sst s25  }
0xa6: {  	s5 =	sshll.u32 s26, $0x1;
	_ =	strace $0x80000049;
	[dreg:$0x1] =	wrdreg $0xFFFFFFFF  }
0xa7: {  	s28 =	simm.s32 $_size_execute0_lowered;
	s3 =	sadd.s32 s3, s5;
	[dreg:$0x0] =	wrdreg $0x0  }
0xa8: {  	s5 =	sshll.u32 s28, $0x1;
	[dreg:$0x2] =	wrdreg s3  }
0xa9: {  	[dreg:$0x3] =	wrdreg s5  }
0xaa: {  	[dreg:$0x4] =	wrdreg $0xC0  }
0xab: {  	_ =	task [dreg:s7], $0x5FFFF  }
0xac: {  	[dreg:$0x1] =	wrdreg $0xFFFFFFFF  }
0xad: {  	[dreg:$0x0] =	wrdreg $0x60  }
0xae: {  	[dreg:$0x2] =	wrdreg s24  }
0xaf: {  	[dreg:$0x3] =	wrdreg s2  }
0xb0: {  	[dreg:$0x4] =	wrdreg $0x41000  }
0xb1: {  	[dreg:$0x5] =	wrdreg $0x9  }
0xb2: {  	_ =	task.clear_ibuf [dreg:s7], $0x6FFFF;
	_ =	strace $0x90000049  }
0xb3: {  	s29 =	simm.s32 $0x9;
	_ =	strace $0x8000004B  }
0xb4: {  	_ =	swait.ge [sflag:s29], $0x1  }
0xb5: {  	[sflag:s29] =	ssyncadd.s32 $0xFFFFFFFF  }
0xb6: {  	_ =	strace $0x9000004B  }
0xb7: {  	_ =	sfence  }
0xb8: {  	s30 =	sld [smem:$0x0];
	_ =	sdelay $0x2  }
0xb9: {  	s31 =	sshll.u32 s1, $0xD;
	s1 =	sshrl.u32 s1, $0x2  }
0xba: {  	s3 =	sand.u32 $0x4000, s31;
	s1 =	sadd.s32 s1, s30  }
0xbb: {  	s0 =	sor.u32 s3, s0;
	s1 =	sshll.u32 s1, $0x11  }
0xbc: {  	s0 =	sor.u32 s1, s0  }
0xbd: {  	s0 =	sadd.s32 $0x8F2B, s0  }
0xbe: {  	[sflag:s0] =	ssyncadd.remote.s32 $0x1  }
0xbf: {  	_ =	sfence.sel $0xFFFF  }
0xc0: {  	[dreg:$0x0] =	wrdreg $0xFFFFFFFF;
	(pc) =	sbr.abs _section_cstart, $3  }
0xc1: {  	[dreg:$0x1] =	wrdreg $0xFFFFFFFF  }
0xc2: {  	_ =	task.clear_ibuf [dreg:s7], $0x2FFFF;
	_ =	strace $0x9FFFFFFF  }
0xc3: {  	(tm) =	ssettm $0x7FFFFFFF  }
tec
execute0_lowered:
.L_overlay_start_1:
0x0: {  	(tag) =	ssettag $0x1  }
0x1: {  	s5 =	rddreg [dreg:$0x0]  }
0x2: {  	s6 =	rddreg [dreg:$0x1]  }
0x3: {  	s2 =	rddreg [dreg:$0x2]  }
0x4: {  	s0 =	rddreg [dreg:$0x3];
	s4 =	srdreg.scid  }
0x5: {  	s1 =	stileid.u32;
	s3 =	simm.s32 $0x0;
	s14 =	simm.s32 $0x80  }
0x6: {  	s15 =	simm.s32 $0x100;
	s16 =	simm.s32 $0x1;
	s17 =	simm.s32 $0x0  }
0x7: {  	s7 =	sand.u32 $0x1, s4;
	s8 =	smul.u32 $0x14000, s1;
	[smem:$0x7FF] =	sst s3  }
0x8: {  	s10 =	sshll.u32 s1, $0x8;
	s4 =	sadd.s32 $0x66200, s5;
	s26 =	smul.u32 $0x50000, s1  }
0x9: {  	s31 =	sshll.u32 s1, $0x6;
	p0 =	slt.u32 s1, $0x2;
	s9 =	smul.u32 $0x140000, s7  }
0xa: {  	_ =	strace $0x8000004A;
	s11 =	sshll.u32 s7, $0x7;
	s28 =	ssub.s32 $0x2, s7  }
0xb: {  	s10 =	sor.u32 s11, s10;
	s7 =	sshrl.u32 s28, $0x1;
	s29 =	sshrl.u32 s26, $0x2  }
0xc: {  	s9 =	sadd.s32 s8, s9;
	s10 =	sshrl.u32 s10, $0x3;
	s8 =	sshrl.u32 s8, $0x3  }
0xd: {  	s30 =	ssub.s32 s28, s7;
	s13 =	sadd.s32 s29, s2;
	s9 =	sshrl.u32 s9, $0x3  }
0xe: {  	s7 =	sor.u32 $0x1C02, s31;
	s12 =	sadd.s32 s10, s5;
	s9 =	sadd.s32 s9, s5  }
0xf: {  	s5 =	sadd.s32 s6, s8;
	s6 =	simm.s32 $0x4F;
	s10 =	sadd.s32 $0x2600, s12  }
0x10: {  	s11 =	sadd.s32 $0xC400, s12;
	s12 =	sshrl.u32 s13, $0x3;
	s13 =	simm.s32 $0x2  }
0x11: {  	s6 =	simm.s32 @!p0 $0x4E;
	s8 =	sadd.s32 $0x156200, s9;
	s9 =	smax.u32 s30, $0x1  }
.LBB2_1:
0x12: {  	[spmem:s12], [sflag:s7] =	dma.local [hbm:s5], $0x2800  }
0x13: {  	_ =	swait.ge [sflag:s13], $0x2800  }
0x14: {  	[sflag:s13] =	ssyncset.done $0x0  }
0x15: {  	[sflag:s13] =	ssyncadd.s32 $0xFFFFD800  }
0x16: {  	[bflag:$0x0] =	sbarrier.arrive $0xFFFF  }
0x17: {  	[tilespmem:s3], [sflag:$0x2] =	stream.linear.gather [hbm4b:s11+s3], $0x80, $0x38;
	[tilespmem:$0x18100] =	vst v63  }
0x18: {  	_ =	swait.ge [sflag:s13], $0x80  }
0x19: {  	[sflag:s13] =	ssyncset.done $0x0  }
0x1a: {  	[sflag:s13] =	ssyncadd.s32 $0xFFFFFF80  }
0x1b: {  	[tilespmem:s14], [sflag:$0x2] =	stream.linear.gather [hbm4b:s10+s3], $0x80, $0x38;
	[tilespmem:$0x18100] =	vst v63  }
0x1c: {  	_ =	swait.ge [sflag:s13], $0x80  }
0x1d: {  	[sflag:s13] =	ssyncset.done $0x0  }
0x1e: {  	[sflag:s13] =	ssyncadd.s32 $0xFFFFFF80  }
0x1f: {  	[tilespmem:s15], [sflag:$0x1] =	stream.indirect.gather [hbm4b:s4+s14], $0x80, s3, s14, $0xb8;
	[tilespmem:$0x18100] =	vst v63  }
0x20: {  	p0 =	sne.s32 s6, $0x1;
	_ =	swait.ge [sflag:s16], $0x4000  }
.Ltmp0:
0x21: {  	[sflag:s16] =	ssyncset.done $0x0;
	(pc) =	sbr.rel @!p0 .LBB2_3-.Ltmp0, $4  }
0x22: {  	[sflag:s16] =	ssyncadd.s32 $0xFFFFC000  }
0x23: {  	[spmem:s2] =	stream.indirect.scatter.add.f32 [tilespmem:s15], [sflag:$0x2], $0x80, s14, s14, $0xb8;
	[tilespmem:$0x18100] =	vst v63  }
0x24: {  	s18 =	sadd.s32 $0xFFFFFFFF, s6;
	_ =	swait.ge [sflag:s13], $0x4000  }
0x25: {  	s19 =	smov.u32 s10;
	s20 =	smov.u32 s11;
	[sflag:s13] =	ssyncset.done $0x0  }
.LBB2_2:
0x26: {  	[sflag:s13] =	ssyncadd.s32 $0xFFFFC000;
	s19 =	sadd.s32 $0x200, s19;
	s20 =	sadd.s32 $0x200, s20  }
0x27: {  	[tilespmem:s3], [sflag:$0x2] =	stream.linear.gather [hbm4b:s20+s3], $0x80, $0x38;
	[tilespmem:$0x18100] =	vst v63  }
0x28: {  	p0 =	sne.s32 s18, $0x1;
	s18 =	sadd.s32 $0xFFFFFFFF, s18;
	_ =	swait.ge [sflag:s13], $0x80  }
0x29: {  	[sflag:s13] =	ssyncset.done $0x0  }
0x2a: {  	[sflag:s13] =	ssyncadd.s32 $0xFFFFFF80  }
0x2b: {  	[tilespmem:s14], [sflag:$0x2] =	stream.linear.gather [hbm4b:s19+s3], $0x80, $0x38;
	[tilespmem:$0x18100] =	vst v63  }
0x2c: {  	_ =	swait.ge [sflag:s13], $0x80  }
0x2d: {  	[sflag:s13] =	ssyncset.done $0x0  }
0x2e: {  	[sflag:s13] =	ssyncadd.s32 $0xFFFFFF80  }
0x2f: {  	[tilespmem:s15], [sflag:$0x1] =	stream.indirect.gather [hbm4b:s4+s14], $0x80, s3, s14, $0xb8;
	[tilespmem:$0x18100] =	vst v63  }
0x30: {  	_ =	swait.ge [sflag:s16], $0x4000  }
.Ltmp1:
0x31: {  	[sflag:s16] =	ssyncset.done $0x0;
	(pc) =	sbr.rel @p0 .LBB2_2-.Ltmp1, $4  }
0x32: {  	[sflag:s16] =	ssyncadd.s32 $0xFFFFC000  }
0x33: {  	[spmem:s2] =	stream.indirect.scatter.add.f32 [tilespmem:s15], [sflag:$0x2], $0x80, s14, s14, $0xb8;
	[tilespmem:$0x18100] =	vst v63  }
0x34: {  	_ =	swait.ge [sflag:s13], $0x4000  }
0x35: {  	[sflag:s13] =	ssyncset.done $0x0  }
.LBB2_3:
0x36: {  	s17 =	sadd.s32 $0x1, s17  }
0x37: {  	[sflag:s13] =	ssyncadd.s32 $0xFFFFC000;
	p0 =	sne.s32 s17, s9  }
.Ltmp2:
0x38: {  	[bflag:$0x0] =	sbarrier.arrive $0xFFFF;
	(pc) =	sbr.rel @p0 .LBB2_1-.Ltmp2, $4  }
0x39: {  	[hbm:s8], [sflag:s7] =	dma.local [spmem:s12], $0x2800  }
0x3a: {  	_ =	swait.ge [sflag:s13], $0x2800  }
0x3b: {  	[sflag:s13] =	ssyncset.done $0x0  }
0x3c: {  	[sflag:s13] =	ssyncadd.s32 $0xFFFFD800  }
0x3d: {  	_ =	sfence.sel $0x180000  }
0x3e: {  	[bflag:$0x0] =	sbarrier.arrive $0xFFFF  }
0x3f: {  	p0 =	sne.s32 s1, $0x0;
	_ =	strace $0x9000004A  }
0x40: {  	s0 =	sadd.s32 @!p0 $0x100000, s0;
	[bflag:$0x2] =	sbarrier.arrive $0xFFFF  }
0x41: {  	[sflag:s0] =	ssyncadd.tile.s32 @!p0 $0x1;
	_ =	shalt  }
.Lfunc_end2:
_tile_overlayer_lowered:
.L_overlay_start_2:
0x42: {  	(tag) =	ssettag $0x2  }
0x43: {  	s0 =	rddreg [dreg:$0x0];
	s2 =	stileid.u32  }
0x44: {  	s1 =	rddreg [dreg:$0x1];
	p0 =	sne.s32 s2, $0x0  }
0x45: {  	s3 =	rddreg [dreg:$0x2];
	[bflag:$0x3] =	sbarrier.arrive $0xFFFF;
	s2 =	simm.s32 @!p0 $0x1C02  }
0x46: {  	[timem:s3], [sflag:s2] =	dma.local @!p0 [hbm:s0], s1  }
0x47: {  	s0 =	simm.s32 @!p0 $0x2  }
0x48: {  	_ =	swait.ge @!p0 [sflag:s0], s1  }
0x49: {  	s1 =	ssub.s32 @!p0 $0x0, s1;
	[sflag:s0] =	ssyncset.done @!p0 $0x0  }
0x4a: {  	[sflag:s0] =	ssyncadd.s32 @!p0 s1  }
0x4b: {  	[bflag:$0x3] =	sbarrier.arrive $0xFFFF  }
0x4c: {  	_ =	shalt  }

// kernel: kernel.19.cloned.1.call-start
scs
__scs_entry_jumppad:
0x0: {  	(pc) =	sbr.rel $0x88, $3  }
0x1: {  	(tag) =	ssettag $0x0;
	lr =	simm.s32 $0x1  }
0x2: {  	[smem:$0x3F92] =	sst lr;
	_ =	strace $0xD0000000  }
0x3: {  	_ = 	snop  }
0x4: {  	_ = 	snop  }
0x5: {  	_ = 	snop  }
0x6: {  	_ = 	snop  }
0x7: {  	_ = 	snop  }
__scs_overlays_trampoline_lowered:
0x8: {  	[smem:$0x3FA1] =	sst s0  }
0x9: {  	[smem:$0x3FA2] =	sst s1  }
0xa: {  	[smem:$0x3FA3] =	sst s2  }
0xb: {  	[smem:$0x3FA4] =	sst s3  }
0xc: {  	[smem:$0x3FA5] =	sst s4  }
0xd: {  	[smem:$0x3FA6] =	sst s5  }
0xe: {  	[smem:$0x3FA7] =	sst s6  }
0xf: {  	[smem:$0x3FA8] =	sst s7  }
0x10: {  	[smem:$0x3FA9] =	sst s8  }
0x11: {  	[smem:$0x3FAA] =	sst s9;
	s0 =	simm.s32 @!p0 $0x0  }
0x12: {  	s1 =	sld [smem:$0x3F90];
	s0 =	simm.s32 @p0 $0x1  }
0x13: {  	[smem:$0x3FAB] =	sst s0;
	s0 =	simm.s32 @!p1 $0x0  }
0x14: {  	s2 =	sld [smem:$0x3F8F];
	s0 =	simm.s32 @p1 $0x1  }
0x15: {  	[smem:$0x3FAC] =	sst s0;
	s0 =	simm.s32 @!p2 $0x0  }
0x16: {  	s3 =	sld [smem:$0x3FDB];
	s0 =	simm.s32 @p2 $0x1  }
0x17: {  	s4 =	simm.s32 $0x1BF5;
	[smem:$0x3FAE] =	sst s0  }
0x18: {  	s0 =	sld [smem:$0x3F91];
	_ =	swait.ge [sflag:s4], $0x0  }
0x19: {  	s7 =	sld [smem:$0x3F92]  }
0x1a: {  	s8 =	sadd.s32 $0xFFFFE003, lr  }
0x1b: {  	s9 =	sadd.s32 $0xFFFFFEF7, lr;
	s5 =	simm.s32 $0xFFFFFFFF;
	p2 =	slt.u32 s8, $0xFFFFF086  }
0x1c: {  	p1 =	slt.u32 s9, $0xF7A;
	s5 =	simm.s32 @!p2 $0x0  }
0x1d: {  	s5 =	simm.s32 @p1 $0x1;
	p0 =	seq.s32 s7, s2  }
0x1e: {  	s7 =	smul.u32 @!p0 $0xF7A, s2;
	p2 =	seq.s32 @!p0 s5, $0x0  }
0x1f: {  	s9 =	smul.u32 $0xF7A, s1;
	s8 =	simm.s32 @!p0 $0x1BF5;
	p2 =	por !p2, p0  }
0x20: {  	[sflag:s8] =	ssyncset.s32 @!p0 $0xFFFFF086;
	s6 =	sadd.s32 @!p0 s3, s7;
	s7 =	simm.s32 @!p0 $0x108  }
0x21: {  	s3 =	sadd.s32 s3, s9;
	s6 =	sadd.s32 @!p0 $0x88, s6;
	s7 =	simm.s32 @p2 $0x1082  }
0x22: {  	[simem:s7], [sflag:s8] =	dma.local @!p0 [hbm:s6], $0xF7A  }
0x23: {  	s9 =	sor.u32 $0xD0000000, s2;
	s6 =	simm.s32 $0x108;
	_ =	swait.ge @!p0 [sflag:s8], $0x0  }
0x24: {  	s3 =	sadd.s32 $0x88, s3;
	s6 =	simm.s32 @!p1 $0x1082;
	[sflag:s4] =	ssyncset.s32 $0xFFFFF086  }
0x25: {  	[simem:s6], [sflag:s4] =	dma.local [hbm:s3], $0xF7A  }
0x26: {  	[smem:$0x3F92] =	sst s1;
	(tag) =	ssettag s2;
	_ =	strace s9  }
0x27: {  	s1 =	sld [smem:$0x3FA2]  }
0x28: {  	s2 =	sld [smem:$0x3FA3]  }
0x29: {  	s4 =	sld [smem:$0x3FA5]  }
0x2a: {  	p0 =	seq.s32 s5, $0x0;
	s5 =	sld [smem:$0x3FA6]  }
0x2b: {  	s6 =	sld [smem:$0x3FA7]  }
0x2c: {  	s7 =	sld [smem:$0x3FA8]  }
0x2d: {  	s3 =	simm.s32 $0x108;
	s8 =	sld [smem:$0x3FA9]  }
0x2e: {  	s3 =	simm.s32 @!p0 $0x1082;
	s9 =	sld [smem:$0x3FAA]  }
0x2f: {  	lr =	sadd.s32 s0, s3;
	s0 =	sld [smem:$0x3FA1]  }
0x30: {  	s3 =	sld [smem:$0x3FA4]  }
0x31: {  	[smem:$0x3FAD] =	sst s10  }
0x32: {  	s10 =	sld [smem:$0x3FAB];
	_ =	sdelay $0x3  }
0x33: {  	p0 =	seq.s32 s10, $0x1;
	s10 =	sld [smem:$0x3FAD];
	_ =	sdelay $0x3  }
0x34: {  	[smem:$0x3FAD] =	sst s10  }
0x35: {  	s10 =	sld [smem:$0x3FAC];
	_ =	sdelay $0x3  }
0x36: {  	p1 =	seq.s32 s10, $0x1;
	s10 =	sld [smem:$0x3FAD];
	_ =	sdelay $0x3  }
0x37: {  	[smem:$0x3FAD] =	sst s10  }
0x38: {  	s10 =	sld [smem:$0x3FAE]  }
0x39: {  	_ = 	snop;
	(pc) =	sbr.ind lr, $3  }
0x3a: {  	_ = 	snop  }
0x3b: {  	_ = 	snop  }
0x3c: {  	p2 =	seq.s32 s10, $0x1;
	s10 =	sld [smem:$0x3FAD]  }
0x3d: {  	_ =	shalt  }
0x3e: {  	_ =	shalt  }
0x3f: {  	_ =	shalt  }
0x40: {  	_ =	shalt  }
0x41: {  	_ =	shalt  }
0x42: {  	_ =	shalt  }
0x43: {  	_ =	shalt  }
0x44: {  	_ =	shalt  }
0x45: {  	_ =	shalt  }
0x46: {  	_ =	shalt  }
0x47: {  	_ =	shalt  }
0x48: {  	_ =	shalt  }
0x49: {  	_ =	shalt  }
0x4a: {  	_ =	shalt  }
0x4b: {  	_ =	shalt  }
0x4c: {  	_ =	shalt  }
0x4d: {  	_ =	shalt  }
0x4e: {  	_ =	shalt  }
0x4f: {  	_ =	shalt  }
0x50: {  	_ =	shalt  }
0x51: {  	_ =	shalt  }
0x52: {  	_ =	shalt  }
0x53: {  	_ =	shalt  }
0x54: {  	_ =	shalt  }
0x55: {  	_ =	shalt  }
0x56: {  	_ =	shalt  }
0x57: {  	_ =	shalt  }
0x58: {  	_ =	shalt  }
0x59: {  	_ =	shalt  }
0x5a: {  	_ =	shalt  }
0x5b: {  	_ =	shalt  }
0x5c: {  	_ =	shalt  }
0x5d: {  	_ =	shalt  }
0x5e: {  	_ =	shalt  }
0x5f: {  	_ =	shalt  }
0x60: {  	_ =	shalt  }
0x61: {  	_ =	shalt  }
0x62: {  	_ =	shalt  }
0x63: {  	_ =	shalt  }
0x64: {  	_ =	shalt  }
0x65: {  	_ =	shalt  }
0x66: {  	_ =	shalt  }
0x67: {  	_ =	shalt  }
0x68: {  	_ =	shalt  }
0x69: {  	_ =	shalt  }
0x6a: {  	_ =	shalt  }
0x6b: {  	_ =	shalt  }
0x6c: {  	_ =	shalt  }
0x6d: {  	_ =	shalt  }
0x6e: {  	_ =	shalt  }
0x6f: {  	_ =	shalt  }
0x70: {  	_ =	shalt  }
0x71: {  	_ =	shalt  }
0x72: {  	_ =	shalt  }
0x73: {  	_ =	shalt  }
0x74: {  	_ =	shalt  }
0x75: {  	_ =	shalt  }
0x76: {  	_ =	shalt  }
0x77: {  	_ =	shalt  }
0x78: {  	_ =	shalt  }
0x79: {  	_ =	shalt  }
0x7a: {  	_ =	shalt  }
0x7b: {  	_ =	shalt  }
0x7c: {  	_ =	shalt  }
0x7d: {  	_ =	shalt  }
0x7e: {  	_ =	shalt  }
0x7f: {  	_ =	shalt  }
0x80: {  	_ =	shalt  }
0x81: {  	_ =	shalt  }
0x82: {  	_ =	shalt  }
0x83: {  	_ =	shalt  }
0x84: {  	_ =	shalt  }
0x85: {  	_ =	shalt  }
0x86: {  	_ =	shalt  }
0x87: {  	_ =	shalt  }
.Lfunc_end0:
.L_simem_size_0:
called_computation.2_lowered:
.L_overlay_start_0:
0x88: {  	s2 =	sld [smem:$0x3FD9]  }
0x89: {  	s3 =	sld [smem:$0x3FFE];
	_ =	sdelay $0x1  }
0x8a: {  	s1 =	srdreg.scid  }
0x8b: {  	s0 =	sand.u32 $0x1, s1  }
0x8c: {  	s17 =	sshll.u32 s0, $0xA;
	s2 =	sadd.s32 s3, s2  }
0x8d: {  	s2 =	sadd.s32 s2, s17  }
0x8e: {  	[smem:$0x3FB9] =	sst s2  }
0x8f: {  	_ = 	snop  }
0x90: {  	s2 =	sld [smem:$0x3FD0];
	(tm) =	ssettm $0x1  }
0x91: {  	s18 =	sld [smem:$0x3FFB];
	_ =	sdelay $0x3  }
0x92: {  	_ =	strace s18  }
0x93: {  	s3 =	sld [smem:$0x3FFC];
	_ =	sdelay $0x3  }
0x94: {  	_ =	strace s3  }
0x95: {  	s3 =	sld [smem:$0x3FFD];
	_ =	sdelay $0x3  }
0x96: {  	_ =	strace s3  }
0x97: {  	_ =	strace $0x8FFFFFFF  }
0x98: {  	s19 =	sld [smem:$0x3FDB];
	_ =	sdelay $0x1  }
0x99: {  	s4 =	simm.s32 $_scs_section_size  }
0x9a: {  	s5 =	simm.s32 $_size__tile_overlayer_lowered;
	s6 =	simm.s32 $_tile_overlayer_lowered  }
0x9b: {  	s22 =	simm.s32 $0x1BFF;
	s21 =	sshll.u32 s6, $0x1;
	s3 =	sadd.s32 s4, s19  }
0x9c: {  	s7 =	simm.s32 $0x0;
	s20 =	sshll.u32 s5, $0x1;
	s5 =	sadd.s32 s21, s3  }
0x9d: {  	[timem:s7], [sflag:s22] =	dma.local [hbm:s5], s20  }
0x9e: {  	_ =	swait.ge [sflag:s22], s20  }
0x9f: {  	s4 =	ssub.s32 $0x0, s20;
	[sflag:s22] =	ssyncset.done $0x0  }
0xa0: {  	[sflag:s22] =	ssyncadd.s32 s4;
	_ =	sdelay $0x1  }
0xa1: {  	s23 =	simm.s32 $0x1B8B  }
0xa2: {  	_ =	swait.ge [sflag:s23], $0x1  }
0xa3: {  	[sflag:s23] =	ssyncset.done $0x0  }
0xa4: {  	s25 =	simm.s32 $0x1B8E;
	s24 =	sld [smem:$0x3FFE];
	[sflag:s23] =	ssyncadd.s32 $0xFFFFFFFF  }
0xa5: {  	s26 =	simm.s32 $execute0_lowered;
	[smem:$0x3FD2] =	sst s25  }
0xa6: {  	s5 =	sshll.u32 s26, $0x1;
	_ =	strace $0x8000004C;
	[dreg:$0x1] =	wrdreg $0xFFFFFFFF  }
0xa7: {  	s28 =	simm.s32 $_size_execute0_lowered;
	s3 =	sadd.s32 s3, s5;
	[dreg:$0x0] =	wrdreg $0x0  }
0xa8: {  	s5 =	sshll.u32 s28, $0x1;
	[dreg:$0x2] =	wrdreg s3  }
0xa9: {  	[dreg:$0x3] =	wrdreg s5  }
0xaa: {  	[dreg:$0x4] =	wrdreg $0xC0  }
0xab: {  	_ =	task [dreg:s7], $0x5FFFF  }
0xac: {  	[dreg:$0x1] =	wrdreg $0xFFFFFFFF  }
0xad: {  	[dreg:$0x0] =	wrdreg $0x60  }
0xae: {  	[dreg:$0x2] =	wrdreg s24  }
0xaf: {  	[dreg:$0x3] =	wrdreg s2  }
0xb0: {  	[dreg:$0x4] =	wrdreg $0x41000  }
0xb1: {  	[dreg:$0x5] =	wrdreg $0x9  }
0xb2: {  	_ =	task.clear_ibuf [dreg:s7], $0x6FFFF;
	_ =	strace $0x9000004C  }
0xb3: {  	s29 =	simm.s32 $0x9;
	_ =	strace $0x8000004E  }
0xb4: {  	_ =	swait.ge [sflag:s29], $0x1  }
0xb5: {  	[sflag:s29] =	ssyncadd.s32 $0xFFFFFFFF  }
0xb6: {  	_ =	strace $0x9000004E  }
0xb7: {  	_ =	sfence  }
0xb8: {  	s30 =	sld [smem:$0x0];
	_ =	sdelay $0x2  }
0xb9: {  	s31 =	sshll.u32 s1, $0xD;
	s1 =	sshrl.u32 s1, $0x2  }
0xba: {  	s3 =	sand.u32 $0x4000, s31;
	s1 =	sadd.s32 s1, s30  }
0xbb: {  	s0 =	sor.u32 s3, s0;
	s1 =	sshll.u32 s1, $0x11  }
0xbc: {  	s0 =	sor.u32 s1, s0  }
0xbd: {  	s0 =	sadd.s32 $0x8F2B, s0  }
0xbe: {  	[sflag:s0] =	ssyncadd.remote.s32 $0x1  }
0xbf: {  	_ =	sfence.sel $0xFFFF  }
0xc0: {  	[dreg:$0x0] =	wrdreg $0xFFFFFFFF;
	(pc) =	sbr.abs _section_cstart, $3  }
0xc1: {  	[dreg:$0x1] =	wrdreg $0xFFFFFFFF  }
0xc2: {  	_ =	task.clear_ibuf [dreg:s7], $0x2FFFF;
	_ =	strace $0x9FFFFFFF  }
0xc3: {  	(tm) =	ssettm $0x7FFFFFFF  }
tec
execute0_lowered:
.L_overlay_start_1:
0x0: {  	(tag) =	ssettag $0x1  }
0x1: {  	s5 =	rddreg [dreg:$0x0]  }
0x2: {  	s6 =	rddreg [dreg:$0x1]  }
0x3: {  	s2 =	rddreg [dreg:$0x2]  }
0x4: {  	s0 =	rddreg [dreg:$0x3];
	s4 =	srdreg.scid  }
0x5: {  	s1 =	stileid.u32;
	s3 =	simm.s32 $0x0;
	s14 =	simm.s32 $0x80  }
0x6: {  	s15 =	simm.s32 $0x100;
	s16 =	simm.s32 $0x1;
	s17 =	simm.s32 $0x0  }
0x7: {  	s7 =	sand.u32 $0x1, s4;
	s8 =	smul.u32 $0x14000, s1;
	[smem:$0x7FF] =	sst s3  }
0x8: {  	s10 =	sshll.u32 s1, $0x8;
	s4 =	sadd.s32 $0x66200, s5;
	s26 =	smul.u32 $0x50000, s1  }
0x9: {  	s31 =	sshll.u32 s1, $0x6;
	p0 =	slt.u32 s1, $0x2;
	s9 =	smul.u32 $0x140000, s7  }
0xa: {  	_ =	strace $0x8000004D;
	s11 =	sshll.u32 s7, $0x7;
	s28 =	ssub.s32 $0x2, s7  }
0xb: {  	s10 =	sor.u32 s11, s10;
	s7 =	sshrl.u32 s28, $0x1;
	s29 =	sshrl.u32 s26, $0x2  }
0xc: {  	s9 =	sadd.s32 s8, s9;
	s10 =	sshrl.u32 s10, $0x3;
	s8 =	sshrl.u32 s8, $0x3  }
0xd: {  	s30 =	ssub.s32 s28, s7;
	s13 =	sadd.s32 s29, s2;
	s9 =	sshrl.u32 s9, $0x3  }
0xe: {  	s7 =	sor.u32 $0x1C02, s31;
	s12 =	sadd.s32 s10, s5;
	s9 =	sadd.s32 s9, s5  }
0xf: {  	s5 =	sadd.s32 s6, s8;
	s6 =	simm.s32 $0x4F;
	s10 =	sadd.s32 $0x2600, s12  }
0x10: {  	s11 =	sadd.s32 $0xC400, s12;
	s12 =	sshrl.u32 s13, $0x3;
	s13 =	simm.s32 $0x2  }
0x11: {  	s6 =	simm.s32 @!p0 $0x4E;
	s8 =	sadd.s32 $0x156200, s9;
	s9 =	smax.u32 s30, $0x1  }
.LBB2_1:
0x12: {  	[spmem:s12], [sflag:s7] =	dma.local [hbm:s5], $0x2800  }
0x13: {  	_ =	swait.ge [sflag:s13], $0x2800  }
0x14: {  	[sflag:s13] =	ssyncset.done $0x0  }
0x15: {  	[sflag:s13] =	ssyncadd.s32 $0xFFFFD800  }
0x16: {  	[bflag:$0x0] =	sbarrier.arrive $0xFFFF  }
0x17: {  	[tilespmem:s3], [sflag:$0x2] =	stream.linear.gather [hbm4b:s11+s3], $0x80, $0x38;
	[tilespmem:$0x18100] =	vst v63  }
0x18: {  	_ =	swait.ge [sflag:s13], $0x80  }
0x19: {  	[sflag:s13] =	ssyncset.done $0x0  }
0x1a: {  	[sflag:s13] =	ssyncadd.s32 $0xFFFFFF80  }
0x1b: {  	[tilespmem:s14], [sflag:$0x2] =	stream.linear.gather [hbm4b:s10+s3], $0x80, $0x38;
	[tilespmem:$0x18100] =	vst v63  }
0x1c: {  	_ =	swait.ge [sflag:s13], $0x80  }
0x1d: {  	[sflag:s13] =	ssyncset.done $0x0  }
0x1e: {  	[sflag:s13] =	ssyncadd.s32 $0xFFFFFF80  }
0x1f: {  	[tilespmem:s15], [sflag:$0x1] =	stream.indirect.gather [hbm4b:s4+s14], $0x80, s3, s14, $0xb8;
	[tilespmem:$0x18100] =	vst v63  }
0x20: {  	p0 =	sne.s32 s6, $0x1;
	_ =	swait.ge [sflag:s16], $0x4000  }
.Ltmp0:
0x21: {  	[sflag:s16] =	ssyncset.done $0x0;
	(pc) =	sbr.rel @!p0 .LBB2_3-.Ltmp0, $4  }
0x22: {  	[sflag:s16] =	ssyncadd.s32 $0xFFFFC000  }
0x23: {  	[spmem:s2] =	stream.indirect.scatter.add.f32 [tilespmem:s15], [sflag:$0x2], $0x80, s14, s14, $0xb8;
	[tilespmem:$0x18100] =	vst v63  }
0x24: {  	s18 =	sadd.s32 $0xFFFFFFFF, s6;
	_ =	swait.ge [sflag:s13], $0x4000  }
0x25: {  	s19 =	smov.u32 s10;
	s20 =	smov.u32 s11;
	[sflag:s13] =	ssyncset.done $0x0  }
.LBB2_2:
0x26: {  	[sflag:s13] =	ssyncadd.s32 $0xFFFFC000;
	s19 =	sadd.s32 $0x200, s19;
	s20 =	sadd.s32 $0x200, s20  }
0x27: {  	[tilespmem:s3], [sflag:$0x2] =	stream.linear.gather [hbm4b:s20+s3], $0x80, $0x38;
	[tilespmem:$0x18100] =	vst v63  }
0x28: {  	p0 =	sne.s32 s18, $0x1;
	s18 =	sadd.s32 $0xFFFFFFFF, s18;
	_ =	swait.ge [sflag:s13], $0x80  }
0x29: {  	[sflag:s13] =	ssyncset.done $0x0  }
0x2a: {  	[sflag:s13] =	ssyncadd.s32 $0xFFFFFF80  }
0x2b: {  	[tilespmem:s14], [sflag:$0x2] =	stream.linear.gather [hbm4b:s19+s3], $0x80, $0x38;
	[tilespmem:$0x18100] =	vst v63  }
0x2c: {  	_ =	swait.ge [sflag:s13], $0x80  }
0x2d: {  	[sflag:s13] =	ssyncset.done $0x0  }
0x2e: {  	[sflag:s13] =	ssyncadd.s32 $0xFFFFFF80  }
0x2f: {  	[tilespmem:s15], [sflag:$0x1] =	stream.indirect.gather [hbm4b:s4+s14], $0x80, s3, s14, $0xb8;
	[tilespmem:$0x18100] =	vst v63  }
0x30: {  	_ =	swait.ge [sflag:s16], $0x4000  }
.Ltmp1:
0x31: {  	[sflag:s16] =	ssyncset.done $0x0;
	(pc) =	sbr.rel @p0 .LBB2_2-.Ltmp1, $4  }
0x32: {  	[sflag:s16] =	ssyncadd.s32 $0xFFFFC000  }
0x33: {  	[spmem:s2] =	stream.indirect.scatter.add.f32 [tilespmem:s15], [sflag:$0x2], $0x80, s14, s14, $0xb8;
	[tilespmem:$0x18100] =	vst v63  }
0x34: {  	_ =	swait.ge [sflag:s13], $0x4000  }
0x35: {  	[sflag:s13] =	ssyncset.done $0x0  }
.LBB2_3:
0x36: {  	s17 =	sadd.s32 $0x1, s17  }
0x37: {  	[sflag:s13] =	ssyncadd.s32 $0xFFFFC000;
	p0 =	sne.s32 s17, s9  }
.Ltmp2:
0x38: {  	[bflag:$0x0] =	sbarrier.arrive $0xFFFF;
	(pc) =	sbr.rel @p0 .LBB2_1-.Ltmp2, $4  }
0x39: {  	[hbm:s8], [sflag:s7] =	dma.local [spmem:s12], $0x2800  }
0x3a: {  	_ =	swait.ge [sflag:s13], $0x2800  }
0x3b: {  	[sflag:s13] =	ssyncset.done $0x0  }
0x3c: {  	[sflag:s13] =	ssyncadd.s32 $0xFFFFD800  }
0x3d: {  	_ =	sfence.sel $0x180000  }
0x3e: {  	[bflag:$0x0] =	sbarrier.arrive $0xFFFF  }
0x3f: {  	p0 =	sne.s32 s1, $0x0;
	_ =	strace $0x9000004D  }
0x40: {  	s0 =	sadd.s32 @!p0 $0x100000, s0;
	[bflag:$0x2] =	sbarrier.arrive $0xFFFF  }
0x41: {  	[sflag:s0] =	ssyncadd.tile.s32 @!p0 $0x1;
	_ =	shalt  }
.Lfunc_end2:
_tile_overlayer_lowered:
.L_overlay_start_2:
0x42: {  	(tag) =	ssettag $0x2  }
0x43: {  	s0 =	rddreg [dreg:$0x0];
	s2 =	stileid.u32  }
0x44: {  	s1 =	rddreg [dreg:$0x1];
	p0 =	sne.s32 s2, $0x0  }
0x45: {  	s3 =	rddreg [dreg:$0x2];
	[bflag:$0x3] =	sbarrier.arrive $0xFFFF;
	s2 =	simm.s32 @!p0 $0x1C02  }
0x46: {  	[timem:s3], [sflag:s2] =	dma.local @!p0 [hbm:s0], s1  }
0x47: {  	s0 =	simm.s32 @!p0 $0x2  }
0x48: {  	_ =	swait.ge @!p0 [sflag:s0], s1  }
0x49: {  	s1 =	ssub.s32 @!p0 $0x0, s1;
	[sflag:s0] =	ssyncset.done @!p0 $0x0  }
0x4a: {  	[sflag:s0] =	ssyncadd.s32 @!p0 s1  }
0x4b: {  	[bflag:$0x3] =	sbarrier.arrive $0xFFFF  }
0x4c: {  	_ =	shalt  }

</sc_bundles>
